<compile_context>
chip_gen: v7x
topology: tpu7x:2x2x1
jax: 0.10.2.dev20260603
libtpu: 0.0.44.dev20260713+nightly
codegen_flags: <defaults>
</compile_context>

<pallas_src>
import functools

import jax
import jax.numpy as jnp
from jax import lax
from jax.experimental import pallas as pl
from jax.experimental.pallas import tpu as pltpu
from jax.experimental.pallas import tpu_sc as plsc

NUM_FIELDS = 26
FIELD_DIM = 100000
EMBED_DIM = 16
DEEP_IN = NUM_FIELDS * EMBED_DIM
DEEP_OUT = 400
BATCH = 16384
TOTAL_IDX = BATCH * NUM_FIELDS

NC = 2
NS = 16
NW = NC * NS
PER_W = TOTAL_IDX // NW
CHUNK = 512
NCHUNK = PER_W // CHUNK

BB = 1024
NB = BATCH // BB


TR_CB = 131072
TR_NB = (2600000 + TR_CB - 1) // TR_CB
TAB_ROWS_PAD = TR_NB * TR_CB


def _tr_body(in_ref, out_ref):
    x = in_ref[...]
    w8 = TR_CB // 8
    m = jnp.concatenate(
        [x[:, w8 * a:w8 * (a + 1)] for a in range(8)], axis=0)
    out_ref[...] = jnp.transpose(m, (1, 0))


def _tc_transpose(embT):
    return pl.pallas_call(
        _tr_body,
        grid=(TR_NB,),
        in_specs=[pl.BlockSpec((EMBED_DIM, TR_CB), lambda i: (0, i))],
        out_specs=pl.BlockSpec((TR_CB // 8, 128), lambda i: (i, 0)),
        out_shape=jax.ShapeDtypeStruct((TR_NB * (TR_CB // 8), 128), jnp.float32),
    )(embT)


def _permute_idx(r):
    return (r & ~(TR_CB - 1)) | ((r & (TR_CB // 8 - 1)) << 3) | ((r >> 14) & 7)


def _sc_gather(xi_flat, xip_flat, emb_table, lin16):
    mesh = plsc.VectorSubcoreMesh(core_axis_name="c", subcore_axis_name="s")

    @functools.partial(
        pl.kernel,
        mesh=mesh,
        compiler_params=pltpu.CompilerParams(use_tc_tiling_on_sc=False,
                                             needs_layout_passes=False),
        out_type=(
            jax.ShapeDtypeStruct((TOTAL_IDX, EMBED_DIM), jnp.float32),
            jax.ShapeDtypeStruct((TOTAL_IDX,), jnp.float32),
        ),
        scratch_types=[
            pltpu.VMEM((2, CHUNK), jnp.int32),
            pltpu.VMEM((2, CHUNK), jnp.int32),
            pltpu.VMEM((2, CHUNK), jnp.int32),
            pltpu.VMEM((2, CHUNK, EMBED_DIM), jnp.float32),
            pltpu.VMEM((2, CHUNK, EMBED_DIM), jnp.float32),
            pltpu.VMEM((2, CHUNK), jnp.float32),
            pltpu.SemaphoreType.DMA((2,)),
            pltpu.SemaphoreType.DMA((2,)),
            pltpu.SemaphoreType.DMA((2,)),
            pltpu.SemaphoreType.DMA((2,)),
            pltpu.SemaphoreType.DMA((2,)),
        ],
    )
    def k(xi_hbm, xip_hbm, emb_hbm, lin_hbm, emb_out, lin_out, idx_v, idxp_v,
          hi_v, rows_v, linrows_v, linval_v, sin, sge, sgl, swe, swl):
        wid = lax.axis_index("s") * NC + lax.axis_index("c")
        base_w = wid * PER_W
        lanes = lax.iota(jnp.int32, 16)

        def fire_in(ci, b):
            base = base_w + ci * CHUNK
            c1 = pltpu.async_copy(xi_hbm.at[pl.ds(base, CHUNK)], idx_v.at[b],
                                  sin.at[b])
            c2 = pltpu.async_copy(xip_hbm.at[pl.ds(base, CHUNK)],
                                  idxp_v.at[b], sin.at[b])
            return c1, c2

        p1, p2 = fire_in(0, 0)

        def body(j, carry):
            for b in range(2):
                ci = 2 * j + b
                base = base_w + ci * CHUNK
                pltpu.make_async_copy(xi_hbm.at[pl.ds(base, CHUNK)],
                                      idx_v.at[b], sin.at[b]).wait()
                pltpu.make_async_copy(xip_hbm.at[pl.ds(base, CHUNK)],
                                      idxp_v.at[b], sin.at[b]).wait()
                @pl.when(j > 0)
                def _():
                    pltpu.make_async_copy(rows_v.at[b],
                                          emb_out.at[pl.ds(0, CHUNK)],
                                          swe.at[b]).wait()
                    pltpu.make_async_copy(linval_v.at[b],
                                          lin_out.at[pl.ds(0, CHUNK)],
                                          swl.at[b]).wait()
                ge = pltpu.async_copy(emb_hbm.at[idxp_v.at[b]], rows_v.at[b],
                                      sge.at[b])

                def hi_body(g, c):
                    sl = pl.ds(g * 16, 16)
                    hi_v[b, sl] = lax.shift_right_logical(idx_v[b, sl], 4)
                    return c

                lax.fori_loop(0, CHUNK // 16, hi_body, 0)
                gl = pltpu.async_copy(lin_hbm.at[hi_v.at[b]],
                                      linrows_v.at[b], sgl.at[b])
                @pl.when(ci + 1 < NCHUNK)
                def _():
                    nb = base_w + (ci + 1) * CHUNK
                    pltpu.async_copy(xi_hbm.at[pl.ds(nb, CHUNK)],
                                     idx_v.at[1 - b], sin.at[1 - b])
                    pltpu.async_copy(xip_hbm.at[pl.ds(nb, CHUNK)],
                                     idxp_v.at[1 - b], sin.at[1 - b])
                ge.wait()
                pltpu.async_copy(rows_v.at[b], emb_out.at[pl.ds(base, CHUNK)],
                                 swe.at[b])
                gl.wait()

                def sel_body(g, c):
                    sl = pl.ds(g * 16, 16)
                    lane = lax.bitwise_and(idx_v[b, sl], 15)
                    row = lanes + g * 16
                    linval_v[b, sl] = plsc.load_gather(linrows_v.at[b],
                                                       [row, lane])
                    return c

                lax.fori_loop(0, CHUNK // 16, sel_body, 0)
                pltpu.async_copy(linval_v.at[b],
                                 lin_out.at[pl.ds(base, CHUNK)], swl.at[b])
            return carry

        lax.fori_loop(0, NCHUNK // 2, body, 0)
        for b in range(2):
            pltpu.make_async_copy(rows_v.at[b], emb_out.at[pl.ds(0, CHUNK)],
                                  swe.at[b]).wait()
            pltpu.make_async_copy(linval_v.at[b],
                                  lin_out.at[pl.ds(0, CHUNK)],
                                  swl.at[b]).wait()

    return k(xi_flat, xip_flat, emb_table, lin16)


def _tc_body(emb_ref, lin_ref, w1_ref, b1_ref, g_ref, bt_ref, w2_ref, b2_ref,
             out_ref, m_scr, v_scr, ss_scr):
    p = pl.program_id(0)
    i = pl.program_id(1)
    blk = emb_ref[...]
    h = jnp.dot(blk, w1_ref[...], preferred_element_type=jnp.float32,
                precision=lax.Precision.DEFAULT) + b1_ref[...]

    @pl.when(p == 0)
    def _phase0():
        m_k = jnp.mean(h, axis=0, keepdims=True)
        d = h - m_k
        m_scr[pl.ds(i, 1), :] = m_k
        v_scr[pl.ds(i, 1), :] = jnp.sum(d * d, axis=0, keepdims=True)

        @pl.when(i == NB - 1)
        def _finalize():
            mean = jnp.mean(m_scr[...], axis=0, keepdims=True)
            dm = m_scr[...] - mean
            var = (jnp.sum(v_scr[...], axis=0, keepdims=True)
                   + BB * jnp.sum(dm * dm, axis=0, keepdims=True)) / BATCH
            scale = g_ref[...] * lax.rsqrt(var + 1e-5)
            shift = bt_ref[...] - mean * scale
            ss_scr[0:1, :] = scale
            ss_scr[1:2, :] = shift

    @pl.when(p == 1)
    def _phase1():
        scale = ss_scr[0:1, :]
        shift = ss_scr[1:2, :]
        hn = jnp.maximum(h * scale + shift, 0.0)
        dblk = jnp.dot(hn, w2_ref[...], preferred_element_type=jnp.float32,
                       precision=lax.Precision.DEFAULT)
        f_ids = lax.broadcasted_iota(jnp.int32, (DEEP_IN, EMBED_DIM), 0)
        c_ids = lax.broadcasted_iota(jnp.int32, (DEEP_IN, EMBED_DIM), 1)
        sel = (f_ids % EMBED_DIM == c_ids).astype(jnp.float32)
        s = jnp.dot(blk, sel, preferred_element_type=jnp.float32,
                    precision=lax.Precision.DEFAULT)
        ix = 0.5 * (jnp.sum(s * s, axis=1, keepdims=True)
                    - jnp.sum(blk * blk, axis=1, keepdims=True))
        linv = jnp.sum(lin_ref[...], axis=1, keepdims=True)
        logit = dblk + b2_ref[...] + ix + linv
        out_ref[...] = 1.0 / (1.0 + jnp.exp(-logit))


def _tc_call(emb2d, lin2d, W1, b1, gamma, beta, W2, b2):
    return pl.pallas_call(
        _tc_body,
        grid=(2, NB),
        in_specs=[
            pl.BlockSpec((BB, DEEP_IN), lambda p, i: (i, 0)),
            pl.BlockSpec((BB, NUM_FIELDS), lambda p, i: (i, 0)),
            pl.BlockSpec((DEEP_IN, DEEP_OUT), lambda p, i: (0, 0)),
            pl.BlockSpec((1, DEEP_OUT), lambda p, i: (0, 0)),
            pl.BlockSpec((1, DEEP_OUT), lambda p, i: (0, 0)),
            pl.BlockSpec((1, DEEP_OUT), lambda p, i: (0, 0)),
            pl.BlockSpec((DEEP_OUT, 1), lambda p, i: (0, 0)),
            pl.BlockSpec((1, 1), lambda p, i: (0, 0)),
        ],
        out_specs=pl.BlockSpec((BB, 1), lambda p, i: (i, 0)),
        out_shape=jax.ShapeDtypeStruct((BATCH, 1), jnp.float32),
        scratch_shapes=[
            pltpu.VMEM((NB, DEEP_OUT), jnp.float32),
            pltpu.VMEM((NB, DEEP_OUT), jnp.float32),
            pltpu.VMEM((8, DEEP_OUT), jnp.float32),
        ],
    )(emb2d, lin2d, W1, b1.reshape(1, -1), gamma.reshape(1, -1),
      beta.reshape(1, -1), W2, b2.reshape(1, 1))


def kernel(x, emb_table, lin_table, W1, b1, gamma, beta, W2, b2):
    offsets = (jnp.arange(NUM_FIELDS) * FIELD_DIM).astype(x.dtype)
    xi = (x + offsets[None, :]).astype(jnp.int32).reshape(-1)
    lin16 = lin_table.reshape(-1, 16)
    emb128 = _tc_transpose(emb_table.T)
    emb_lin = emb128.reshape(-1, EMBED_DIM)
    xi_p = _permute_idx(xi)
    emb_flat, lin_flat = _sc_gather(xi, xi_p, emb_lin, lin16)
    emb2d = emb_flat.reshape(BATCH, DEEP_IN)
    lin2d = lin_flat.reshape(BATCH, NUM_FIELDS)
    out2d = _tc_call(emb2d, lin2d, W1, b1, gamma, beta, W2, b2)
    return out2d[:, 0]

# --- scband reference (transcript-rebuilt; emitter-appended) ---
"""Pipeline reference for scband-deep-fm-12549894439306 (READ-ONLY COPY).

The authoritative reference and input builder live on the scoring server;
editing this copy changes nothing except your own understanding.
"""

import jax, jax.numpy as jnp
import numpy as np

NUM_FIELDS = 26
FIELD_DIM = 100000
TOTAL_ROWS = NUM_FIELDS * FIELD_DIM
EMBED_DIM = 16
DEEP_IN = NUM_FIELDS * EMBED_DIM  # 416
DEEP_OUT = 400
BATCH = 16384


def setup_inputs(seed: int = 0) -> dict:
    key = jax.random.key(seed)
    ks = jax.random.split(key, 10)
    x = jax.random.randint(ks[0], (BATCH, NUM_FIELDS), 0, FIELD_DIM, dtype=jnp.int64 if jax.config.read('jax_enable_x64') else jnp.int32)
    # embedding table (xavier uniform)
    bound = float(np.sqrt(6.0 / (TOTAL_ROWS + EMBED_DIM)))
    emb_table = jax.random.uniform(ks[1], (TOTAL_ROWS, EMBED_DIM), minval=-bound, maxval=bound, dtype=jnp.float32)
    lin_table = jax.random.normal(ks[2], (TOTAL_ROWS, 1), dtype=jnp.float32) * 0.01
    # Deep: Linear(416 -> 400), BN(400), ReLU, Dropout(eval), Linear(400 -> 1)
    b1w = float(1.0 / np.sqrt(DEEP_IN))
    W1 = jax.random.uniform(ks[3], (DEEP_IN, DEEP_OUT), minval=-b1w, maxval=b1w, dtype=jnp.float32)
    b1 = jax.random.uniform(ks[4], (DEEP_OUT,), minval=-b1w, maxval=b1w, dtype=jnp.float32)
    gamma = jnp.ones((DEEP_OUT,), dtype=jnp.float32)
    beta = jnp.zeros((DEEP_OUT,), dtype=jnp.float32)
    b2w = float(1.0 / np.sqrt(DEEP_OUT))
    W2 = jax.random.uniform(ks[5], (DEEP_OUT, 1), minval=-b2w, maxval=b2w, dtype=jnp.float32)
    b2 = jax.random.uniform(ks[6], (1,), minval=-b2w, maxval=b2w, dtype=jnp.float32)
    return {"x": x, "emb_table": emb_table, "lin_table": lin_table,
            "W1": W1, "b1": b1, "gamma": gamma, "beta": beta, "W2": W2, "b2": b2}


def reference(x, emb_table, lin_table, W1, b1, gamma, beta, W2, b2):
    offsets = (jnp.arange(NUM_FIELDS) * FIELD_DIM).astype(x.dtype)
    xi = x + offsets[None, :]                      # (B, F)
    # FeatureEmbedding: gather (B, F, D)
    embed_x = jnp.take(emb_table, xi, axis=0)
    # FMLinear: gather (B, F, 1) then sum over fields -> (B, 1)
    lin = jnp.sum(jnp.take(lin_table, xi, axis=0), axis=1)
    # FMInteraction
    square_of_sum = jnp.sum(embed_x, axis=1) ** 2
    sum_of_square = jnp.sum(embed_x ** 2, axis=1)
    ix = 0.5 * jnp.sum(square_of_sum - sum_of_square, axis=1, keepdims=True)
    # Deep (BatchNorm with batch statistics as in train-mode; dropout as identity)
    h = embed_x.reshape(-1, DEEP_IN) @ W1 + b1
    mean = jnp.mean(h, axis=0)
    var = jnp.var(h, axis=0)
    h = (h - mean) / jnp.sqrt(var + 1e-5) * gamma + beta
    h = jnp.maximum(h, 0.0)
    deep_out = h @ W2 + b2                         # (B, 1)
    logits = lin + ix + deep_out
    return jax.nn.sigmoid(jnp.squeeze(logits, axis=1))

if __name__ == "__main__":
    import jax
    _d = setup_inputs()
    print(jax.jit(kernel)(*tuple(_d.values())))

</pallas_src>

<mosaic_0001>
#map = affine_map<(d0, d1) -> (0)>
#map1 = affine_map<(d0, d1) -> (0, 0)>
module attributes {stable_mosaic.version = 14 : i64} {
  func.func @k(%arg0: i32, %arg1: i32, %arg2: memref<425984xi32, #tpu.memory_space<hbm>>, %arg3: memref<425984xi32, #tpu.memory_space<hbm>>, %arg4: memref<2621440x16xf32, #tpu.memory_space<hbm>>, %arg5: memref<162500x16xf32, #tpu.memory_space<hbm>>, %arg6: memref<425984x16xf32, #tpu.memory_space<hbm>>, %arg7: memref<425984xf32, #tpu.memory_space<hbm>>, %arg8: memref<2x512xi32, #tpu.memory_space<vmem>>, %arg9: memref<2x512xi32, #tpu.memory_space<vmem>>, %arg10: memref<2x512xi32, #tpu.memory_space<vmem>>, %arg11: memref<2x512x16xf32, #tpu.memory_space<vmem>>, %arg12: memref<2x512x16xf32, #tpu.memory_space<vmem>>, %arg13: memref<2x512xf32, #tpu.memory_space<vmem>>, %arg14: memref<2x!tpu.dma_semaphore, #tpu.memory_space<semaphore_mem>>, %arg15: memref<2x!tpu.dma_semaphore, #tpu.memory_space<semaphore_mem>>, %arg16: memref<2x!tpu.dma_semaphore, #tpu.memory_space<semaphore_mem>>, %arg17: memref<2x!tpu.dma_semaphore, #tpu.memory_space<semaphore_mem>>, %arg18: memref<2x!tpu.dma_semaphore, #tpu.memory_space<semaphore_mem>>) attributes {dimension_semantics = [#tpu.dimension_semantics<core_parallel>, #tpu.dimension_semantics<subcore_parallel>], iteration_bounds = array<i64: 2, 16>, scalar_prefetch = 0 : i64, scratch_operands = 11 : i64, tpu.core_type = #tpu.core_type<sc_vector_subcore>, window_params = [{transform_indices = #map}, {transform_indices = #map}, {transform_indices = #map1}, {transform_indices = #map1}, {transform_indices = #map1}, {transform_indices = #map}]} {
    %mul3A = arith.constant 2 : i32
    %mul3A_0 = arith.muli %arg1, %mul3A : i32
    %add3A = arith.addi %mul3A_0, %arg0 : i32
    %mul3A_1 = arith.constant 13312 : i32
    %mul3A_2 = arith.muli %add3A, %mul3A_1 : i32
    %iota3A = tpu.iota {dimensions = array<i32: 0>} : vector<16xi32>
    %add3A_3 = arith.constant 0 : i32
    %add3A_4 = arith.addi %mul3A_2, %add3A_3 : i32
    %dma_start3A = arith.constant 0 : i32
    %dma_start3A_5 = arith.constant 0 : i32
    %dma_start3A_6 = arith.constant 0 : i32
    %dma_start3A_7 = tpu.memref_slice %arg8[%dma_start3A, %dma_start3A_6] : memref<2x512xi32, #tpu.memory_space<vmem>> -> memref<1x512xi32, #tpu.memory_space<vmem>>
    %dma_start3A_8 = tpu.memref_squeeze %dma_start3A_7 : memref<1x512xi32, #tpu.memory_space<vmem>> -> memref<512xi32, #tpu.memory_space<vmem>>
    %dma_start3A_9 = tpu.memref_slice %arg2[%add3A_4] : memref<425984xi32, #tpu.memory_space<hbm>> -> memref<512xi32, #tpu.memory_space<hbm>>
    %dma_start3A_10 = tpu.memref_slice %arg14[%dma_start3A_5] : memref<2x!tpu.dma_semaphore, #tpu.memory_space<semaphore_mem>> -> memref<1x!tpu.dma_semaphore, #tpu.memory_space<semaphore_mem>>
    %dma_start3A_11 = tpu.memref_squeeze %dma_start3A_10 : memref<1x!tpu.dma_semaphore, #tpu.memory_space<semaphore_mem>> -> memref<!tpu.dma_semaphore, #tpu.memory_space<semaphore_mem>>
    %dma_start3A_12 = arith.constant 0 : i32
    %dma_start3A_13 = tpu.memref_slice %arg8[%dma_start3A, %dma_start3A_12] : memref<2x512xi32, #tpu.memory_space<vmem>> -> memref<1x512xi32, #tpu.memory_space<vmem>>
    %dma_start3A_14 = tpu.memref_squeeze %dma_start3A_13 : memref<1x512xi32, #tpu.memory_space<vmem>> -> memref<512xi32, #tpu.memory_space<vmem>>
    %dma_start3A_15 = tpu.memref_slice %arg2[%add3A_4] : memref<425984xi32, #tpu.memory_space<hbm>> -> memref<512xi32, #tpu.memory_space<hbm>>
    tpu.enqueue_dma source(%dma_start3A_15 : memref<512xi32, #tpu.memory_space<hbm>>) target(%dma_start3A_14 : memref<512xi32, #tpu.memory_space<vmem>>) target_semaphore(%dma_start3A_11 : memref<!tpu.dma_semaphore, #tpu.memory_space<semaphore_mem>>)
    %dma_start3A_16 = arith.constant 0 : i32
    %dma_start3A_17 = arith.constant 0 : i32
    %dma_start3A_18 = arith.constant 0 : i32
    %dma_start3A_19 = tpu.memref_slice %arg9[%dma_start3A_16, %dma_start3A_18] : memref<2x512xi32, #tpu.memory_space<vmem>> -> memref<1x512xi32, #tpu.memory_space<vmem>>
    %dma_start3A_20 = tpu.memref_squeeze %dma_start3A_19 : memref<1x512xi32, #tpu.memory_space<vmem>> -> memref<512xi32, #tpu.memory_space<vmem>>
    %dma_start3A_21 = tpu.memref_slice %arg3[%add3A_4] : memref<425984xi32, #tpu.memory_space<hbm>> -> memref<512xi32, #tpu.memory_space<hbm>>
    %dma_start3A_22 = tpu.memref_slice %arg14[%dma_start3A_17] : memref<2x!tpu.dma_semaphore, #tpu.memory_space<semaphore_mem>> -> memref<1x!tpu.dma_semaphore, #tpu.memory_space<semaphore_mem>>
    %dma_start3A_23 = tpu.memref_squeeze %dma_start3A_22 : memref<1x!tpu.dma_semaphore, #tpu.memory_space<semaphore_mem>> -> memref<!tpu.dma_semaphore, #tpu.memory_space<semaphore_mem>>
    %dma_start3A_24 = arith.constant 0 : i32
    %dma_start3A_25 = tpu.memref_slice %arg9[%dma_start3A_16, %dma_start3A_24] : memref<2x512xi32, #tpu.memory_space<vmem>> -> memref<1x512xi32, #tpu.memory_space<vmem>>
    %dma_start3A_26 = tpu.memref_squeeze %dma_start3A_25 : memref<1x512xi32, #tpu.memory_space<vmem>> -> memref<512xi32, #tpu.memory_space<vmem>>
    %dma_start3A_27 = tpu.memref_slice %arg3[%add3A_4] : memref<425984xi32, #tpu.memory_space<hbm>> -> memref<512xi32, #tpu.memory_space<hbm>>
    tpu.enqueue_dma source(%dma_start3A_27 : memref<512xi32, #tpu.memory_space<hbm>>) target(%dma_start3A_26 : memref<512xi32, #tpu.memory_space<vmem>>) target_semaphore(%dma_start3A_23 : memref<!tpu.dma_semaphore, #tpu.memory_space<semaphore_mem>>)
    %scan3A = arith.constant 0 : i32
    %scan3A_28 = arith.constant 0 : i32
    %scan3A_29 = arith.constant 13 : i32
    %scan3A_30 = arith.addi %scan3A_28, %scan3A_29 : i32
    %scan3A_31 = arith.constant 1 : i32
    scf.for %scan3A_96 = %scan3A_28 to %scan3A_30 step %scan3A_31  : i32 {
      %mul3A_97 = arith.constant 2 : i32
      %mul3A_98 = arith.muli %mul3A_97, %scan3A_96 : i32
      %add3A_99 = arith.constant 0 : i32
      %add3A_100 = arith.addi %mul3A_98, %add3A_99 : i32
      %mul3A_101 = arith.constant 512 : i32
      %mul3A_102 = arith.muli %add3A_100, %mul3A_101 : i32
      %add3A_103 = arith.addi %mul3A_2, %mul3A_102 : i32
      %dma_wait3A_104 = arith.constant 0 : i32
      %dma_wait3A_105 = arith.constant 0 : i32
      %dma_wait3A_106 = arith.constant 0 : i32
      %dma_wait3A_107 = tpu.memref_slice %arg8[%dma_wait3A_104, %dma_wait3A_106] : memref<2x512xi32, #tpu.memory_space<vmem>> -> memref<1x512xi32, #tpu.memory_space<vmem>>
      %dma_wait3A_108 = tpu.memref_squeeze %dma_wait3A_107 : memref<1x512xi32, #tpu.memory_space<vmem>> -> memref<512xi32, #tpu.memory_space<vmem>>
      %dma_wait3A_109 = tpu.memref_slice %arg2[%add3A_103] : memref<425984xi32, #tpu.memory_space<hbm>> -> memref<512xi32, #tpu.memory_space<hbm>>
      %dma_wait3A_110 = tpu.memref_slice %arg14[%dma_wait3A_105] : memref<2x!tpu.dma_semaphore, #tpu.memory_space<semaphore_mem>> -> memref<1x!tpu.dma_semaphore, #tpu.memory_space<semaphore_mem>>
      %dma_wait3A_111 = tpu.memref_squeeze %dma_wait3A_110 : memref<1x!tpu.dma_semaphore, #tpu.memory_space<semaphore_mem>> -> memref<!tpu.dma_semaphore, #tpu.memory_space<semaphore_mem>>
      %dma_wait3A_112 = arith.constant 0 : i32
      %dma_wait3A_113 = tpu.memref_slice %arg8[%dma_wait3A_104, %dma_wait3A_112] : memref<2x512xi32, #tpu.memory_space<vmem>> -> memref<1x512xi32, #tpu.memory_space<vmem>>
      %dma_wait3A_114 = tpu.memref_squeeze %dma_wait3A_113 : memref<1x512xi32, #tpu.memory_space<vmem>> -> memref<512xi32, #tpu.memory_space<vmem>>
      %dma_wait3A_115 = tpu.memref_slice %arg2[%add3A_103] : memref<425984xi32, #tpu.memory_space<hbm>> -> memref<512xi32, #tpu.memory_space<hbm>>
      tpu.wait_dma2 semaphore(%dma_wait3A_111 : memref<!tpu.dma_semaphore, #tpu.memory_space<semaphore_mem>>) src(%dma_wait3A_115 : memref<512xi32, #tpu.memory_space<hbm>>) dst(%dma_wait3A_114 : memref<512xi32, #tpu.memory_space<vmem>>)
      %dma_wait3A_116 = arith.constant 0 : i32
      %dma_wait3A_117 = arith.constant 0 : i32
      %dma_wait3A_118 = arith.constant 0 : i32
      %dma_wait3A_119 = tpu.memref_slice %arg9[%dma_wait3A_116, %dma_wait3A_118] : memref<2x512xi32, #tpu.memory_space<vmem>> -> memref<1x512xi32, #tpu.memory_space<vmem>>
      %dma_wait3A_120 = tpu.memref_squeeze %dma_wait3A_119 : memref<1x512xi32, #tpu.memory_space<vmem>> -> memref<512xi32, #tpu.memory_space<vmem>>
      %dma_wait3A_121 = tpu.memref_slice %arg3[%add3A_103] : memref<425984xi32, #tpu.memory_space<hbm>> -> memref<512xi32, #tpu.memory_space<hbm>>
      %dma_wait3A_122 = tpu.memref_slice %arg14[%dma_wait3A_117] : memref<2x!tpu.dma_semaphore, #tpu.memory_space<semaphore_mem>> -> memref<1x!tpu.dma_semaphore, #tpu.memory_space<semaphore_mem>>
      %dma_wait3A_123 = tpu.memref_squeeze %dma_wait3A_122 : memref<1x!tpu.dma_semaphore, #tpu.memory_space<semaphore_mem>> -> memref<!tpu.dma_semaphore, #tpu.memory_space<semaphore_mem>>
      %dma_wait3A_124 = arith.constant 0 : i32
      %dma_wait3A_125 = tpu.memref_slice %arg9[%dma_wait3A_116, %dma_wait3A_124] : memref<2x512xi32, #tpu.memory_space<vmem>> -> memref<1x512xi32, #tpu.memory_space<vmem>>
      %dma_wait3A_126 = tpu.memref_squeeze %dma_wait3A_125 : memref<1x512xi32, #tpu.memory_space<vmem>> -> memref<512xi32, #tpu.memory_space<vmem>>
      %dma_wait3A_127 = tpu.memref_slice %arg3[%add3A_103] : memref<425984xi32, #tpu.memory_space<hbm>> -> memref<512xi32, #tpu.memory_space<hbm>>
      tpu.wait_dma2 semaphore(%dma_wait3A_123 : memref<!tpu.dma_semaphore, #tpu.memory_space<semaphore_mem>>) src(%dma_wait3A_127 : memref<512xi32, #tpu.memory_space<hbm>>) dst(%dma_wait3A_126 : memref<512xi32, #tpu.memory_space<vmem>>)
      %gt3A = arith.constant 0 : i32
      %gt3A_128 = arith.cmpi sgt, %scan3A_96, %gt3A : i32
      %convert_element_type3A = arith.extui %gt3A_128 : i1 to i32
      %cond3A = arith.constant 0 : i32
      %cond3A_129 = arith.cmpi ne, %convert_element_type3A, %cond3A : i32
      scf.if %cond3A_129 {
        %dma_wait3A_379 = arith.constant 0 : i32
        %dma_wait3A_380 = arith.constant 0 : i32
        %dma_wait3A_381 = arith.constant 0 : i32
        %dma_wait3A_382 = arith.constant 0 : i32
        %dma_wait3A_383 = tpu.memref_slice %arg11[%dma_wait3A_379, %dma_wait3A_381, %dma_wait3A_382] : memref<2x512x16xf32, #tpu.memory_space<vmem>> -> memref<1x512x16xf32, #tpu.memory_space<vmem>>
        %dma_wait3A_384 = tpu.memref_squeeze %dma_wait3A_383 : memref<1x512x16xf32, #tpu.memory_space<vmem>> -> memref<512x16xf32, #tpu.memory_space<vmem>>
        %dma_wait3A_385 = arith.constant 0 : i32
        %dma_wait3A_386 = arith.constant 0 : i32
        %dma_wait3A_387 = tpu.memref_slice %arg6[%dma_wait3A_385, %dma_wait3A_386] : memref<425984x16xf32, #tpu.memory_space<hbm>> -> memref<512x16xf32, #tpu.memory_space<hbm>>
        %dma_wait3A_388 = tpu.memref_slice %arg17[%dma_wait3A_380] : memref<2x!tpu.dma_semaphore, #tpu.memory_space<semaphore_mem>> -> memref<1x!tpu.dma_semaphore, #tpu.memory_space<semaphore_mem>>
        %dma_wait3A_389 = tpu.memref_squeeze %dma_wait3A_388 : memref<1x!tpu.dma_semaphore, #tpu.memory_space<semaphore_mem>> -> memref<!tpu.dma_semaphore, #tpu.memory_space<semaphore_mem>>
        %dma_wait3A_390 = arith.constant 0 : i32
        %dma_wait3A_391 = arith.constant 0 : i32
        %dma_wait3A_392 = tpu.memref_slice %arg6[%dma_wait3A_390, %dma_wait3A_391] : memref<425984x16xf32, #tpu.memory_space<hbm>> -> memref<512x16xf32, #tpu.memory_space<hbm>>
        %dma_wait3A_393 = arith.constant 0 : i32
        %dma_wait3A_394 = arith.constant 0 : i32
        %dma_wait3A_395 = tpu.memref_slice %arg11[%dma_wait3A_379, %dma_wait3A_393, %dma_wait3A_394] : memref<2x512x16xf32, #tpu.memory_space<vmem>> -> memref<1x512x16xf32, #tpu.memory_space<vmem>>
        %dma_wait3A_396 = tpu.memref_squeeze %dma_wait3A_395 : memref<1x512x16xf32, #tpu.memory_space<vmem>> -> memref<512x16xf32, #tpu.memory_space<vmem>>
        tpu.wait_dma2 semaphore(%dma_wait3A_389 : memref<!tpu.dma_semaphore, #tpu.memory_space<semaphore_mem>>) src(%dma_wait3A_396 : memref<512x16xf32, #tpu.memory_space<vmem>>) dst(%dma_wait3A_392 : memref<512x16xf32, #tpu.memory_space<hbm>>)
        %dma_wait3A_397 = arith.constant 0 : i32
        %dma_wait3A_398 = arith.constant 0 : i32
        %dma_wait3A_399 = arith.constant 0 : i32
        %dma_wait3A_400 = tpu.memref_slice %arg13[%dma_wait3A_397, %dma_wait3A_399] : memref<2x512xf32, #tpu.memory_space<vmem>> -> memref<1x512xf32, #tpu.memory_space<vmem>>
        %dma_wait3A_401 = tpu.memref_squeeze %dma_wait3A_400 : memref<1x512xf32, #tpu.memory_space<vmem>> -> memref<512xf32, #tpu.memory_space<vmem>>
        %dma_wait3A_402 = arith.constant 0 : i32
        %dma_wait3A_403 = tpu.memref_slice %arg7[%dma_wait3A_402] : memref<425984xf32, #tpu.memory_space<hbm>> -> memref<512xf32, #tpu.memory_space<hbm>>
        %dma_wait3A_404 = tpu.memref_slice %arg18[%dma_wait3A_398] : memref<2x!tpu.dma_semaphore, #tpu.memory_space<semaphore_mem>> -> memref<1x!tpu.dma_semaphore, #tpu.memory_space<semaphore_mem>>
        %dma_wait3A_405 = tpu.memref_squeeze %dma_wait3A_404 : memref<1x!tpu.dma_semaphore, #tpu.memory_space<semaphore_mem>> -> memref<!tpu.dma_semaphore, #tpu.memory_space<semaphore_mem>>
        %dma_wait3A_406 = arith.constant 0 : i32
        %dma_wait3A_407 = tpu.memref_slice %arg7[%dma_wait3A_406] : memref<425984xf32, #tpu.memory_space<hbm>> -> memref<512xf32, #tpu.memory_space<hbm>>
        %dma_wait3A_408 = arith.constant 0 : i32
        %dma_wait3A_409 = tpu.memref_slice %arg13[%dma_wait3A_397, %dma_wait3A_408] : memref<2x512xf32, #tpu.memory_space<vmem>> -> memref<1x512xf32, #tpu.memory_space<vmem>>
        %dma_wait3A_410 = tpu.memref_squeeze %dma_wait3A_409 : memref<1x512xf32, #tpu.memory_space<vmem>> -> memref<512xf32, #tpu.memory_space<vmem>>
        tpu.wait_dma2 semaphore(%dma_wait3A_405 : memref<!tpu.dma_semaphore, #tpu.memory_space<semaphore_mem>>) src(%dma_wait3A_410 : memref<512xf32, #tpu.memory_space<vmem>>) dst(%dma_wait3A_407 : memref<512xf32, #tpu.memory_space<hbm>>)
      } else {
      }
      %dma_start3A_130 = arith.constant 0 : i32
      %dma_start3A_131 = arith.constant 0 : i32
      %dma_start3A_132 = arith.constant 0 : i32
      %dma_start3A_133 = arith.constant 0 : i32
      %dma_start3A_134 = arith.constant 0 : i32
      %dma_start3A_135 = tpu.memref_slice %arg11[%dma_start3A_131, %dma_start3A_133, %dma_start3A_134] : memref<2x512x16xf32, #tpu.memory_space<vmem>> -> memref<1x512x16xf32, #tpu.memory_space<vmem>>
      %dma_start3A_136 = tpu.memref_squeeze %dma_start3A_135 : memref<1x512x16xf32, #tpu.memory_space<vmem>> -> memref<512x16xf32, #tpu.memory_space<vmem>>
      %dma_start3A_137 = arith.constant 0 : i32
      %dma_start3A_138 = tpu.memref_slice %arg9[%dma_start3A_130, %dma_start3A_137] : memref<2x512xi32, #tpu.memory_space<vmem>> -> memref<1x512xi32, #tpu.memory_space<vmem>>
      %dma_start3A_139 = tpu.memref_squeeze %dma_start3A_138 : memref<1x512xi32, #tpu.memory_space<vmem>> -> memref<512xi32, #tpu.memory_space<vmem>>
      %dma_start3A_140 = arith.constant 0 : i32
      %dma_start3A_141 = arith.constant 0 : i32
      %dma_start3A_142 = tpu.memref_slice %arg4[%dma_start3A_140, %dma_start3A_141] : memref<2621440x16xf32, #tpu.memory_space<hbm>> -> memref<2621440x16xf32, #tpu.memory_space<hbm>>
      %dma_start3A_143 = tpu.memref_slice %arg15[%dma_start3A_132] : memref<2x!tpu.dma_semaphore, #tpu.memory_space<semaphore_mem>> -> memref<1x!tpu.dma_semaphore, #tpu.memory_space<semaphore_mem>>
      %dma_start3A_144 = tpu.memref_squeeze %dma_start3A_143 : memref<1x!tpu.dma_semaphore, #tpu.memory_space<semaphore_mem>> -> memref<!tpu.dma_semaphore, #tpu.memory_space<semaphore_mem>>
      tpu.enqueue_indirect_dma source(%dma_start3A_142 : memref<2621440x16xf32, #tpu.memory_space<hbm>>) target(%dma_start3A_136 : memref<512x16xf32, #tpu.memory_space<vmem>>) offsets(%dma_start3A_139 : memref<512xi32, #tpu.memory_space<vmem>>) semaphore(%dma_start3A_144 : memref<!tpu.dma_semaphore, #tpu.memory_space<semaphore_mem>>)
      %scan3A_145 = arith.constant 0 : i32
      %scan3A_146 = arith.constant 0 : i32
      %scan3A_147 = arith.constant 32 : i32
      %scan3A_148 = arith.addi %scan3A_146, %scan3A_147 : i32
      %scan3A_149 = arith.constant 1 : i32
      scf.for %scan3A_379 = %scan3A_146 to %scan3A_148 step %scan3A_149  : i32 {
        %mul3A_380 = arith.constant 16 : i32
        %mul3A_381 = arith.muli %scan3A_379, %mul3A_380 : i32
        %get3A = arith.constant 0 : i32
        %get3A_382 = arith.index_cast %get3A : i32 to index
        %get3A_383 = arith.index_cast %mul3A_381 : i32 to index
        %get3A_384 = tpu.vector_load %arg8[%get3A_382, %get3A_383] {strides = array<i32>} : memref<2x512xi32, #tpu.memory_space<vmem>>, vector<16xi32>,
        %shift_right_logical3A = arith.constant 4 : i32
        %shift_right_logical3A_385 = vector.broadcast %shift_right_logical3A : i32 to vector<16xi32>
        %shift_right_logical3A_386 = arith.shrui %get3A_384, %shift_right_logical3A_385 : vector<16xi32>
        %swap3A = arith.constant 0 : i32
        %swap3A_387 = arith.index_cast %swap3A : i32 to index
        %swap3A_388 = arith.index_cast %mul3A_381 : i32 to index
        %swap3A_389 = tpu.vector_load %arg10[%swap3A_387, %swap3A_388] {strides = array<i32>} : memref<2x512xi32, #tpu.memory_space<vmem>>, vector<16xi32>,
        tpu.vector_store %arg10[%swap3A_387, %swap3A_388], %shift_right_logical3A_386 {strides = array<i32>} : memref<2x512xi32, #tpu.memory_space<vmem>>, vector<16xi32>,
      }
      %scan3A_150 = arith.constant 32 : i32
      %dma_start3A_151 = arith.constant 0 : i32
      %dma_start3A_152 = arith.constant 0 : i32
      %dma_start3A_153 = arith.constant 0 : i32
      %dma_start3A_154 = arith.constant 0 : i32
      %dma_start3A_155 = arith.constant 0 : i32
      %dma_start3A_156 = tpu.memref_slice %arg12[%dma_start3A_152, %dma_start3A_154, %dma_start3A_155] : memref<2x512x16xf32, #tpu.memory_space<vmem>> -> memref<1x512x16xf32, #tpu.memory_space<vmem>>
      %dma_start3A_157 = tpu.memref_squeeze %dma_start3A_156 : memref<1x512x16xf32, #tpu.memory_space<vmem>> -> memref<512x16xf32, #tpu.memory_space<vmem>>
      %dma_start3A_158 = arith.constant 0 : i32
      %dma_start3A_159 = tpu.memref_slice %arg10[%dma_start3A_151, %dma_start3A_158] : memref<2x512xi32, #tpu.memory_space<vmem>> -> memref<1x512xi32, #tpu.memory_space<vmem>>
      %dma_start3A_160 = tpu.memref_squeeze %dma_start3A_159 : memref<1x512xi32, #tpu.memory_space<vmem>> -> memref<512xi32, #tpu.memory_space<vmem>>
      %dma_start3A_161 = arith.constant 0 : i32
      %dma_start3A_162 = arith.constant 0 : i32
      %dma_start3A_163 = tpu.memref_slice %arg5[%dma_start3A_161, %dma_start3A_162] : memref<162500x16xf32, #tpu.memory_space<hbm>> -> memref<162500x16xf32, #tpu.memory_space<hbm>>
      %dma_start3A_164 = tpu.memref_slice %arg16[%dma_start3A_153] : memref<2x!tpu.dma_semaphore, #tpu.memory_space<semaphore_mem>> -> memref<1x!tpu.dma_semaphore, #tpu.memory_space<semaphore_mem>>
      %dma_start3A_165 = tpu.memref_squeeze %dma_start3A_164 : memref<1x!tpu.dma_semaphore, #tpu.memory_space<semaphore_mem>> -> memref<!tpu.dma_semaphore, #tpu.memory_space<semaphore_mem>>
      tpu.enqueue_indirect_dma source(%dma_start3A_163 : memref<162500x16xf32, #tpu.memory_space<hbm>>) target(%dma_start3A_157 : memref<512x16xf32, #tpu.memory_space<vmem>>) offsets(%dma_start3A_160 : memref<512xi32, #tpu.memory_space<vmem>>) semaphore(%dma_start3A_165 : memref<!tpu.dma_semaphore, #tpu.memory_space<semaphore_mem>>)
      %add3A_166 = arith.constant 1 : i32
      %add3A_167 = arith.addi %add3A_100, %add3A_166 : i32
      %lt3A = arith.constant 26 : i32
      %lt3A_168 = arith.cmpi slt, %add3A_167, %lt3A : i32
      %convert_element_type3A_169 = arith.extui %lt3A_168 : i1 to i32
      %cond3A_170 = arith.constant 0 : i32
      %cond3A_171 = arith.cmpi ne, %convert_element_type3A_169, %cond3A_170 : i32
      scf.if %cond3A_171 {
        %add3A_379 = arith.constant 1 : i32
        %add3A_380 = arith.addi %add3A_100, %add3A_379 : i32
        %mul3A_381 = arith.constant 512 : i32
        %mul3A_382 = arith.muli %add3A_380, %mul3A_381 : i32
        %add3A_383 = arith.addi %mul3A_2, %mul3A_382 : i32
        %dma_start3A_384 = arith.constant 1 : i32
        %dma_start3A_385 = arith.constant 1 : i32
        %dma_start3A_386 = arith.constant 0 : i32
        %dma_start3A_387 = tpu.memref_slice %arg8[%dma_start3A_384, %dma_start3A_386] : memref<2x512xi32, #tpu.memory_space<vmem>> -> memref<1x512xi32, #tpu.memory_space<vmem>>
        %dma_start3A_388 = tpu.memref_squeeze %dma_start3A_387 : memref<1x512xi32, #tpu.memory_space<vmem>> -> memref<512xi32, #tpu.memory_space<vmem>>
        %dma_start3A_389 = tpu.memref_slice %arg2[%add3A_383] : memref<425984xi32, #tpu.memory_space<hbm>> -> memref<512xi32, #tpu.memory_space<hbm>>
        %dma_start3A_390 = tpu.memref_slice %arg14[%dma_start3A_385] : memref<2x!tpu.dma_semaphore, #tpu.memory_space<semaphore_mem>> -> memref<1x!tpu.dma_semaphore, #tpu.memory_space<semaphore_mem>>
        %dma_start3A_391 = tpu.memref_squeeze %dma_start3A_390 : memref<1x!tpu.dma_semaphore, #tpu.memory_space<semaphore_mem>> -> memref<!tpu.dma_semaphore, #tpu.memory_space<semaphore_mem>>
        %dma_start3A_392 = arith.constant 0 : i32
        %dma_start3A_393 = tpu.memref_slice %arg8[%dma_start3A_384, %dma_start3A_392] : memref<2x512xi32, #tpu.memory_space<vmem>> -> memref<1x512xi32, #tpu.memory_space<vmem>>
        %dma_start3A_394 = tpu.memref_squeeze %dma_start3A_393 : memref<1x512xi32, #tpu.memory_space<vmem>> -> memref<512xi32, #tpu.memory_space<vmem>>
        %dma_start3A_395 = tpu.memref_slice %arg2[%add3A_383] : memref<425984xi32, #tpu.memory_space<hbm>> -> memref<512xi32, #tpu.memory_space<hbm>>
        tpu.enqueue_dma source(%dma_start3A_395 : memref<512xi32, #tpu.memory_space<hbm>>) target(%dma_start3A_394 : memref<512xi32, #tpu.memory_space<vmem>>) target_semaphore(%dma_start3A_391 : memref<!tpu.dma_semaphore, #tpu.memory_space<semaphore_mem>>)
        %dma_start3A_396 = arith.constant 1 : i32
        %dma_start3A_397 = arith.constant 1 : i32
        %dma_start3A_398 = arith.constant 0 : i32
        %dma_start3A_399 = tpu.memref_slice %arg9[%dma_start3A_396, %dma_start3A_398] : memref<2x512xi32, #tpu.memory_space<vmem>> -> memref<1x512xi32, #tpu.memory_space<vmem>>
        %dma_start3A_400 = tpu.memref_squeeze %dma_start3A_399 : memref<1x512xi32, #tpu.memory_space<vmem>> -> memref<512xi32, #tpu.memory_space<vmem>>
        %dma_start3A_401 = tpu.memref_slice %arg3[%add3A_383] : memref<425984xi32, #tpu.memory_space<hbm>> -> memref<512xi32, #tpu.memory_space<hbm>>
        %dma_start3A_402 = tpu.memref_slice %arg14[%dma_start3A_397] : memref<2x!tpu.dma_semaphore, #tpu.memory_space<semaphore_mem>> -> memref<1x!tpu.dma_semaphore, #tpu.memory_space<semaphore_mem>>
        %dma_start3A_403 = tpu.memref_squeeze %dma_start3A_402 : memref<1x!tpu.dma_semaphore, #tpu.memory_space<semaphore_mem>> -> memref<!tpu.dma_semaphore, #tpu.memory_space<semaphore_mem>>
        %dma_start3A_404 = arith.constant 0 : i32
        %dma_start3A_405 = tpu.memref_slice %arg9[%dma_start3A_396, %dma_start3A_404] : memref<2x512xi32, #tpu.memory_space<vmem>> -> memref<1x512xi32, #tpu.memory_space<vmem>>
        %dma_start3A_406 = tpu.memref_squeeze %dma_start3A_405 : memref<1x512xi32, #tpu.memory_space<vmem>> -> memref<512xi32, #tpu.memory_space<vmem>>
        %dma_start3A_407 = tpu.memref_slice %arg3[%add3A_383] : memref<425984xi32, #tpu.memory_space<hbm>> -> memref<512xi32, #tpu.memory_space<hbm>>
        tpu.enqueue_dma source(%dma_start3A_407 : memref<512xi32, #tpu.memory_space<hbm>>) target(%dma_start3A_406 : memref<512xi32, #tpu.memory_space<vmem>>) target_semaphore(%dma_start3A_403 : memref<!tpu.dma_semaphore, #tpu.memory_space<semaphore_mem>>)
      } else {
      }
      %dma_wait3A_172 = arith.constant 0 : i32
      %dma_wait3A_173 = arith.constant 0 : i32
      %dma_wait3A_174 = arith.constant 0 : i32
      %dma_wait3A_175 = arith.constant 0 : i32
      %dma_wait3A_176 = arith.constant 0 : i32
      %dma_wait3A_177 = tpu.memref_slice %arg11[%dma_wait3A_173, %dma_wait3A_175, %dma_wait3A_176] : memref<2x512x16xf32, #tpu.memory_space<vmem>> -> memref<1x512x16xf32, #tpu.memory_space<vmem>>
      %dma_wait3A_178 = tpu.memref_squeeze %dma_wait3A_177 : memref<1x512x16xf32, #tpu.memory_space<vmem>> -> memref<512x16xf32, #tpu.memory_space<vmem>>
      %dma_wait3A_179 = arith.constant 0 : i32
      %dma_wait3A_180 = tpu.memref_slice %arg9[%dma_wait3A_172, %dma_wait3A_179] : memref<2x512xi32, #tpu.memory_space<vmem>> -> memref<1x512xi32, #tpu.memory_space<vmem>>
      %dma_wait3A_181 = tpu.memref_squeeze %dma_wait3A_180 : memref<1x512xi32, #tpu.memory_space<vmem>> -> memref<512xi32, #tpu.memory_space<vmem>>
      %dma_wait3A_182 = arith.constant 0 : i32
      %dma_wait3A_183 = arith.constant 0 : i32
      %dma_wait3A_184 = tpu.memref_slice %arg4[%dma_wait3A_182, %dma_wait3A_183] : memref<2621440x16xf32, #tpu.memory_space<hbm>> -> memref<2621440x16xf32, #tpu.memory_space<hbm>>
      %dma_wait3A_185 = tpu.memref_slice %arg15[%dma_wait3A_174] : memref<2x!tpu.dma_semaphore, #tpu.memory_space<semaphore_mem>> -> memref<1x!tpu.dma_semaphore, #tpu.memory_space<semaphore_mem>>
      %dma_wait3A_186 = tpu.memref_squeeze %dma_wait3A_185 : memref<1x!tpu.dma_semaphore, #tpu.memory_space<semaphore_mem>> -> memref<!tpu.dma_semaphore, #tpu.memory_space<semaphore_mem>>
      tpu.wait_indirect_dma semaphore(%dma_wait3A_186 : memref<!tpu.dma_semaphore, #tpu.memory_space<semaphore_mem>>) src(%dma_wait3A_184 : memref<2621440x16xf32, #tpu.memory_space<hbm>>) dst(%dma_wait3A_178 : memref<512x16xf32, #tpu.memory_space<vmem>>)
      %dma_start3A_187 = arith.constant 0 : i32
      %dma_start3A_188 = arith.constant 0 : i32
      %dma_start3A_189 = arith.constant 0 : i32
      %dma_start3A_190 = arith.constant 0 : i32
      %dma_start3A_191 = tpu.memref_slice %arg11[%dma_start3A_187, %dma_start3A_189, %dma_start3A_190] : memref<2x512x16xf32, #tpu.memory_space<vmem>> -> memref<1x512x16xf32, #tpu.memory_space<vmem>>
      %dma_start3A_192 = tpu.memref_squeeze %dma_start3A_191 : memref<1x512x16xf32, #tpu.memory_space<vmem>> -> memref<512x16xf32, #tpu.memory_space<vmem>>
      %dma_start3A_193 = arith.constant 0 : i32
      %dma_start3A_194 = tpu.memref_slice %arg6[%add3A_103, %dma_start3A_193] : memref<425984x16xf32, #tpu.memory_space<hbm>> -> memref<512x16xf32, #tpu.memory_space<hbm>>
      %dma_start3A_195 = tpu.memref_slice %arg17[%dma_start3A_188] : memref<2x!tpu.dma_semaphore, #tpu.memory_space<semaphore_mem>> -> memref<1x!tpu.dma_semaphore, #tpu.memory_space<semaphore_mem>>
      %dma_start3A_196 = tpu.memref_squeeze %dma_start3A_195 : memref<1x!tpu.dma_semaphore, #tpu.memory_space<semaphore_mem>> -> memref<!tpu.dma_semaphore, #tpu.memory_space<semaphore_mem>>
      %dma_start3A_197 = arith.constant 0 : i32
      %dma_start3A_198 = tpu.memref_slice %arg6[%add3A_103, %dma_start3A_197] : memref<425984x16xf32, #tpu.memory_space<hbm>> -> memref<512x16xf32, #tpu.memory_space<hbm>>
      %dma_start3A_199 = arith.constant 0 : i32
      %dma_start3A_200 = arith.constant 0 : i32
      %dma_start3A_201 = tpu.memref_slice %arg11[%dma_start3A_187, %dma_start3A_199, %dma_start3A_200] : memref<2x512x16xf32, #tpu.memory_space<vmem>> -> memref<1x512x16xf32, #tpu.memory_space<vmem>>
      %dma_start3A_202 = tpu.memref_squeeze %dma_start3A_201 : memref<1x512x16xf32, #tpu.memory_space<vmem>> -> memref<512x16xf32, #tpu.memory_space<vmem>>
      tpu.enqueue_dma source(%dma_start3A_202 : memref<512x16xf32, #tpu.memory_space<vmem>>) target(%dma_start3A_198 : memref<512x16xf32, #tpu.memory_space<hbm>>) target_semaphore(%dma_start3A_196 : memref<!tpu.dma_semaphore, #tpu.memory_space<semaphore_mem>>)
      %dma_wait3A_203 = arith.constant 0 : i32
      %dma_wait3A_204 = arith.constant 0 : i32
      %dma_wait3A_205 = arith.constant 0 : i32
      %dma_wait3A_206 = arith.constant 0 : i32
      %dma_wait3A_207 = arith.constant 0 : i32
      %dma_wait3A_208 = tpu.memref_slice %arg12[%dma_wait3A_204, %dma_wait3A_206, %dma_wait3A_207] : memref<2x512x16xf32, #tpu.memory_space<vmem>> -> memref<1x512x16xf32, #tpu.memory_space<vmem>>
      %dma_wait3A_209 = tpu.memref_squeeze %dma_wait3A_208 : memref<1x512x16xf32, #tpu.memory_space<vmem>> -> memref<512x16xf32, #tpu.memory_space<vmem>>
      %dma_wait3A_210 = arith.constant 0 : i32
      %dma_wait3A_211 = tpu.memref_slice %arg10[%dma_wait3A_203, %dma_wait3A_210] : memref<2x512xi32, #tpu.memory_space<vmem>> -> memref<1x512xi32, #tpu.memory_space<vmem>>
      %dma_wait3A_212 = tpu.memref_squeeze %dma_wait3A_211 : memref<1x512xi32, #tpu.memory_space<vmem>> -> memref<512xi32, #tpu.memory_space<vmem>>
      %dma_wait3A_213 = arith.constant 0 : i32
      %dma_wait3A_214 = arith.constant 0 : i32
      %dma_wait3A_215 = tpu.memref_slice %arg5[%dma_wait3A_213, %dma_wait3A_214] : memref<162500x16xf32, #tpu.memory_space<hbm>> -> memref<162500x16xf32, #tpu.memory_space<hbm>>
      %dma_wait3A_216 = tpu.memref_slice %arg16[%dma_wait3A_205] : memref<2x!tpu.dma_semaphore, #tpu.memory_space<semaphore_mem>> -> memref<1x!tpu.dma_semaphore, #tpu.memory_space<semaphore_mem>>
      %dma_wait3A_217 = tpu.memref_squeeze %dma_wait3A_216 : memref<1x!tpu.dma_semaphore, #tpu.memory_space<semaphore_mem>> -> memref<!tpu.dma_semaphore, #tpu.memory_space<semaphore_mem>>
      tpu.wait_indirect_dma semaphore(%dma_wait3A_217 : memref<!tpu.dma_semaphore, #tpu.memory_space<semaphore_mem>>) src(%dma_wait3A_215 : memref<162500x16xf32, #tpu.memory_space<hbm>>) dst(%dma_wait3A_209 : memref<512x16xf32, #tpu.memory_space<vmem>>)
      %scan3A_218 = arith.constant 0 : i32
      %scan3A_219 = arith.constant 0 : i32
      %scan3A_220 = arith.constant 32 : i32
      %scan3A_221 = arith.addi %scan3A_219, %scan3A_220 : i32
      %scan3A_222 = arith.constant 1 : i32
      scf.for %scan3A_379 = %scan3A_219 to %scan3A_221 step %scan3A_222  : i32 {
        %mul3A_380 = arith.constant 16 : i32
        %mul3A_381 = arith.muli %scan3A_379, %mul3A_380 : i32
        %get3A = arith.constant 0 : i32
        %get3A_382 = arith.index_cast %get3A : i32 to index
        %get3A_383 = arith.index_cast %mul3A_381 : i32 to index
        %get3A_384 = tpu.vector_load %arg8[%get3A_382, %get3A_383] {strides = array<i32>} : memref<2x512xi32, #tpu.memory_space<vmem>>, vector<16xi32>,
        %and3A = arith.constant 15 : i32
        %and3A_385 = vector.broadcast %and3A : i32 to vector<16xi32>
        %and3A_386 = arith.andi %get3A_384, %and3A_385 : vector<16xi32>
        %mul3A_387 = arith.constant 16 : i32
        %mul3A_388 = arith.muli %scan3A_379, %mul3A_387 : i32
        %add3A_389 = vector.broadcast %mul3A_388 : i32 to vector<16xi32>
        %add3A_390 = arith.addi %iota3A, %add3A_389 : vector<16xi32>
        %gather3A = arith.constant 0 : i32
        %gather3A_391 = arith.constant 0 : i32
        %gather3A_392 = arith.constant 0 : i32
        %gather3A_393 = tpu.memref_slice %arg12[%gather3A, %gather3A_391, %gather3A_392] : memref<2x512x16xf32, #tpu.memory_space<vmem>> -> memref<1x512x16xf32, #tpu.memory_space<vmem>>
        %gather3A_394 = tpu.memref_squeeze %gather3A_393 : memref<1x512x16xf32, #tpu.memory_space<vmem>> -> memref<512x16xf32, #tpu.memory_space<vmem>>
        %gather3A_395 = tpu.vector_load_idx %gather3A_394[%add3A_390, %and3A_386] : memref<512x16xf32, #tpu.memory_space<vmem>>[vector<16xi32>, vector<16xi32>], vector<16xf32>,
        %swap3A = arith.constant 0 : i32
        %swap3A_396 = arith.index_cast %swap3A : i32 to index
        %swap3A_397 = arith.index_cast %mul3A_381 : i32 to index
        %swap3A_398 = tpu.vector_load %arg13[%swap3A_396, %swap3A_397] {strides = array<i32>} : memref<2x512xf32, #tpu.memory_space<vmem>>, vector<16xf32>,
        tpu.vector_store %arg13[%swap3A_396, %swap3A_397], %gather3A_395 {strides = array<i32>} : memref<2x512xf32, #tpu.memory_space<vmem>>, vector<16xf32>,
      }
      %scan3A_223 = arith.constant 32 : i32
      %dma_start3A_224 = arith.constant 0 : i32
      %dma_start3A_225 = arith.constant 0 : i32
      %dma_start3A_226 = arith.constant 0 : i32
      %dma_start3A_227 = tpu.memref_slice %arg13[%dma_start3A_224, %dma_start3A_226] : memref<2x512xf32, #tpu.memory_space<vmem>> -> memref<1x512xf32, #tpu.memory_space<vmem>>
      %dma_start3A_228 = tpu.memref_squeeze %dma_start3A_227 : memref<1x512xf32, #tpu.memory_space<vmem>> -> memref<512xf32, #tpu.memory_space<vmem>>
      %dma_start3A_229 = tpu.memref_slice %arg7[%add3A_103] : memref<425984xf32, #tpu.memory_space<hbm>> -> memref<512xf32, #tpu.memory_space<hbm>>
      %dma_start3A_230 = tpu.memref_slice %arg18[%dma_start3A_225] : memref<2x!tpu.dma_semaphore, #tpu.memory_space<semaphore_mem>> -> memref<1x!tpu.dma_semaphore, #tpu.memory_space<semaphore_mem>>
      %dma_start3A_231 = tpu.memref_squeeze %dma_start3A_230 : memref<1x!tpu.dma_semaphore, #tpu.memory_space<semaphore_mem>> -> memref<!tpu.dma_semaphore, #tpu.memory_space<semaphore_mem>>
      %dma_start3A_232 = tpu.memref_slice %arg7[%add3A_103] : memref<425984xf32, #tpu.memory_space<hbm>> -> memref<512xf32, #tpu.memory_space<hbm>>
      %dma_start3A_233 = arith.constant 0 : i32
      %dma_start3A_234 = tpu.memref_slice %arg13[%dma_start3A_224, %dma_start3A_233] : memref<2x512xf32, #tpu.memory_space<vmem>> -> memref<1x512xf32, #tpu.memory_space<vmem>>
      %dma_start3A_235 = tpu.memref_squeeze %dma_start3A_234 : memref<1x512xf32, #tpu.memory_space<vmem>> -> memref<512xf32, #tpu.memory_space<vmem>>
      tpu.enqueue_dma source(%dma_start3A_235 : memref<512xf32, #tpu.memory_space<vmem>>) target(%dma_start3A_232 : memref<512xf32, #tpu.memory_space<hbm>>) target_semaphore(%dma_start3A_231 : memref<!tpu.dma_semaphore, #tpu.memory_space<semaphore_mem>>)
      %mul3A_236 = arith.constant 2 : i32
      %mul3A_237 = arith.muli %mul3A_236, %scan3A_96 : i32
      %add3A_238 = arith.constant 1 : i32
      %add3A_239 = arith.addi %mul3A_237, %add3A_238 : i32
      %mul3A_240 = arith.constant 512 : i32
      %mul3A_241 = arith.muli %add3A_239, %mul3A_240 : i32
      %add3A_242 = arith.addi %mul3A_2, %mul3A_241 : i32
      %dma_wait3A_243 = arith.constant 1 : i32
      %dma_wait3A_244 = arith.constant 1 : i32
      %dma_wait3A_245 = arith.constant 0 : i32
      %dma_wait3A_246 = tpu.memref_slice %arg8[%dma_wait3A_243, %dma_wait3A_245] : memref<2x512xi32, #tpu.memory_space<vmem>> -> memref<1x512xi32, #tpu.memory_space<vmem>>
      %dma_wait3A_247 = tpu.memref_squeeze %dma_wait3A_246 : memref<1x512xi32, #tpu.memory_space<vmem>> -> memref<512xi32, #tpu.memory_space<vmem>>
      %dma_wait3A_248 = tpu.memref_slice %arg2[%add3A_242] : memref<425984xi32, #tpu.memory_space<hbm>> -> memref<512xi32, #tpu.memory_space<hbm>>
      %dma_wait3A_249 = tpu.memref_slice %arg14[%dma_wait3A_244] : memref<2x!tpu.dma_semaphore, #tpu.memory_space<semaphore_mem>> -> memref<1x!tpu.dma_semaphore, #tpu.memory_space<semaphore_mem>>
      %dma_wait3A_250 = tpu.memref_squeeze %dma_wait3A_249 : memref<1x!tpu.dma_semaphore, #tpu.memory_space<semaphore_mem>> -> memref<!tpu.dma_semaphore, #tpu.memory_space<semaphore_mem>>
      %dma_wait3A_251 = arith.constant 0 : i32
      %dma_wait3A_252 = tpu.memref_slice %arg8[%dma_wait3A_243, %dma_wait3A_251] : memref<2x512xi32, #tpu.memory_space<vmem>> -> memref<1x512xi32, #tpu.memory_space<vmem>>
      %dma_wait3A_253 = tpu.memref_squeeze %dma_wait3A_252 : memref<1x512xi32, #tpu.memory_space<vmem>> -> memref<512xi32, #tpu.memory_space<vmem>>
      %dma_wait3A_254 = tpu.memref_slice %arg2[%add3A_242] : memref<425984xi32, #tpu.memory_space<hbm>> -> memref<512xi32, #tpu.memory_space<hbm>>
      tpu.wait_dma2 semaphore(%dma_wait3A_250 : memref<!tpu.dma_semaphore, #tpu.memory_space<semaphore_mem>>) src(%dma_wait3A_254 : memref<512xi32, #tpu.memory_space<hbm>>) dst(%dma_wait3A_253 : memref<512xi32, #tpu.memory_space<vmem>>)
      %dma_wait3A_255 = arith.constant 1 : i32
      %dma_wait3A_256 = arith.constant 1 : i32
      %dma_wait3A_257 = arith.constant 0 : i32
      %dma_wait3A_258 = tpu.memref_slice %arg9[%dma_wait3A_255, %dma_wait3A_257] : memref<2x512xi32, #tpu.memory_space<vmem>> -> memref<1x512xi32, #tpu.memory_space<vmem>>
      %dma_wait3A_259 = tpu.memref_squeeze %dma_wait3A_258 : memref<1x512xi32, #tpu.memory_space<vmem>> -> memref<512xi32, #tpu.memory_space<vmem>>
      %dma_wait3A_260 = tpu.memref_slice %arg3[%add3A_242] : memref<425984xi32, #tpu.memory_space<hbm>> -> memref<512xi32, #tpu.memory_space<hbm>>
      %dma_wait3A_261 = tpu.memref_slice %arg14[%dma_wait3A_256] : memref<2x!tpu.dma_semaphore, #tpu.memory_space<semaphore_mem>> -> memref<1x!tpu.dma_semaphore, #tpu.memory_space<semaphore_mem>>
      %dma_wait3A_262 = tpu.memref_squeeze %dma_wait3A_261 : memref<1x!tpu.dma_semaphore, #tpu.memory_space<semaphore_mem>> -> memref<!tpu.dma_semaphore, #tpu.memory_space<semaphore_mem>>
      %dma_wait3A_263 = arith.constant 0 : i32
      %dma_wait3A_264 = tpu.memref_slice %arg9[%dma_wait3A_255, %dma_wait3A_263] : memref<2x512xi32, #tpu.memory_space<vmem>> -> memref<1x512xi32, #tpu.memory_space<vmem>>
      %dma_wait3A_265 = tpu.memref_squeeze %dma_wait3A_264 : memref<1x512xi32, #tpu.memory_space<vmem>> -> memref<512xi32, #tpu.memory_space<vmem>>
      %dma_wait3A_266 = tpu.memref_slice %arg3[%add3A_242] : memref<425984xi32, #tpu.memory_space<hbm>> -> memref<512xi32, #tpu.memory_space<hbm>>
      tpu.wait_dma2 semaphore(%dma_wait3A_262 : memref<!tpu.dma_semaphore, #tpu.memory_space<semaphore_mem>>) src(%dma_wait3A_266 : memref<512xi32, #tpu.memory_space<hbm>>) dst(%dma_wait3A_265 : memref<512xi32, #tpu.memory_space<vmem>>)
      %gt3A_267 = arith.constant 0 : i32
      %gt3A_268 = arith.cmpi sgt, %scan3A_96, %gt3A_267 : i32
      %convert_element_type3A_269 = arith.extui %gt3A_268 : i1 to i32
      %cond3A_270 = arith.constant 0 : i32
      %cond3A_271 = arith.cmpi ne, %convert_element_type3A_269, %cond3A_270 : i32
      scf.if %cond3A_271 {
        %dma_wait3A_379 = arith.constant 1 : i32
        %dma_wait3A_380 = arith.constant 1 : i32
        %dma_wait3A_381 = arith.constant 0 : i32
        %dma_wait3A_382 = arith.constant 0 : i32
        %dma_wait3A_383 = tpu.memref_slice %arg11[%dma_wait3A_379, %dma_wait3A_381, %dma_wait3A_382] : memref<2x512x16xf32, #tpu.memory_space<vmem>> -> memref<1x512x16xf32, #tpu.memory_space<vmem>>
        %dma_wait3A_384 = tpu.memref_squeeze %dma_wait3A_383 : memref<1x512x16xf32, #tpu.memory_space<vmem>> -> memref<512x16xf32, #tpu.memory_space<vmem>>
        %dma_wait3A_385 = arith.constant 0 : i32
        %dma_wait3A_386 = arith.constant 0 : i32
        %dma_wait3A_387 = tpu.memref_slice %arg6[%dma_wait3A_385, %dma_wait3A_386] : memref<425984x16xf32, #tpu.memory_space<hbm>> -> memref<512x16xf32, #tpu.memory_space<hbm>>
        %dma_wait3A_388 = tpu.memref_slice %arg17[%dma_wait3A_380] : memref<2x!tpu.dma_semaphore, #tpu.memory_space<semaphore_mem>> -> memref<1x!tpu.dma_semaphore, #tpu.memory_space<semaphore_mem>>
        %dma_wait3A_389 = tpu.memref_squeeze %dma_wait3A_388 : memref<1x!tpu.dma_semaphore, #tpu.memory_space<semaphore_mem>> -> memref<!tpu.dma_semaphore, #tpu.memory_space<semaphore_mem>>
        %dma_wait3A_390 = arith.constant 0 : i32
        %dma_wait3A_391 = arith.constant 0 : i32
        %dma_wait3A_392 = tpu.memref_slice %arg6[%dma_wait3A_390, %dma_wait3A_391] : memref<425984x16xf32, #tpu.memory_space<hbm>> -> memref<512x16xf32, #tpu.memory_space<hbm>>
        %dma_wait3A_393 = arith.constant 0 : i32
        %dma_wait3A_394 = arith.constant 0 : i32
        %dma_wait3A_395 = tpu.memref_slice %arg11[%dma_wait3A_379, %dma_wait3A_393, %dma_wait3A_394] : memref<2x512x16xf32, #tpu.memory_space<vmem>> -> memref<1x512x16xf32, #tpu.memory_space<vmem>>
        %dma_wait3A_396 = tpu.memref_squeeze %dma_wait3A_395 : memref<1x512x16xf32, #tpu.memory_space<vmem>> -> memref<512x16xf32, #tpu.memory_space<vmem>>
        tpu.wait_dma2 semaphore(%dma_wait3A_389 : memref<!tpu.dma_semaphore, #tpu.memory_space<semaphore_mem>>) src(%dma_wait3A_396 : memref<512x16xf32, #tpu.memory_space<vmem>>) dst(%dma_wait3A_392 : memref<512x16xf32, #tpu.memory_space<hbm>>)
        %dma_wait3A_397 = arith.constant 1 : i32
        %dma_wait3A_398 = arith.constant 1 : i32
        %dma_wait3A_399 = arith.constant 0 : i32
        %dma_wait3A_400 = tpu.memref_slice %arg13[%dma_wait3A_397, %dma_wait3A_399] : memref<2x512xf32, #tpu.memory_space<vmem>> -> memref<1x512xf32, #tpu.memory_space<vmem>>
        %dma_wait3A_401 = tpu.memref_squeeze %dma_wait3A_400 : memref<1x512xf32, #tpu.memory_space<vmem>> -> memref<512xf32, #tpu.memory_space<vmem>>
        %dma_wait3A_402 = arith.constant 0 : i32
        %dma_wait3A_403 = tpu.memref_slice %arg7[%dma_wait3A_402] : memref<425984xf32, #tpu.memory_space<hbm>> -> memref<512xf32, #tpu.memory_space<hbm>>
        %dma_wait3A_404 = tpu.memref_slice %arg18[%dma_wait3A_398] : memref<2x!tpu.dma_semaphore, #tpu.memory_space<semaphore_mem>> -> memref<1x!tpu.dma_semaphore, #tpu.memory_space<semaphore_mem>>
        %dma_wait3A_405 = tpu.memref_squeeze %dma_wait3A_404 : memref<1x!tpu.dma_semaphore, #tpu.memory_space<semaphore_mem>> -> memref<!tpu.dma_semaphore, #tpu.memory_space<semaphore_mem>>
        %dma_wait3A_406 = arith.constant 0 : i32
        %dma_wait3A_407 = tpu.memref_slice %arg7[%dma_wait3A_406] : memref<425984xf32, #tpu.memory_space<hbm>> -> memref<512xf32, #tpu.memory_space<hbm>>
        %dma_wait3A_408 = arith.constant 0 : i32
        %dma_wait3A_409 = tpu.memref_slice %arg13[%dma_wait3A_397, %dma_wait3A_408] : memref<2x512xf32, #tpu.memory_space<vmem>> -> memref<1x512xf32, #tpu.memory_space<vmem>>
        %dma_wait3A_410 = tpu.memref_squeeze %dma_wait3A_409 : memref<1x512xf32, #tpu.memory_space<vmem>> -> memref<512xf32, #tpu.memory_space<vmem>>
        tpu.wait_dma2 semaphore(%dma_wait3A_405 : memref<!tpu.dma_semaphore, #tpu.memory_space<semaphore_mem>>) src(%dma_wait3A_410 : memref<512xf32, #tpu.memory_space<vmem>>) dst(%dma_wait3A_407 : memref<512xf32, #tpu.memory_space<hbm>>)
      } else {
      }
      %dma_start3A_272 = arith.constant 1 : i32
      %dma_start3A_273 = arith.constant 1 : i32
      %dma_start3A_274 = arith.constant 1 : i32
      %dma_start3A_275 = arith.constant 0 : i32
      %dma_start3A_276 = arith.constant 0 : i32
      %dma_start3A_277 = tpu.memref_slice %arg11[%dma_start3A_273, %dma_start3A_275, %dma_start3A_276] : memref<2x512x16xf32, #tpu.memory_space<vmem>> -> memref<1x512x16xf32, #tpu.memory_space<vmem>>
      %dma_start3A_278 = tpu.memref_squeeze %dma_start3A_277 : memref<1x512x16xf32, #tpu.memory_space<vmem>> -> memref<512x16xf32, #tpu.memory_space<vmem>>
      %dma_start3A_279 = arith.constant 0 : i32
      %dma_start3A_280 = tpu.memref_slice %arg9[%dma_start3A_272, %dma_start3A_279] : memref<2x512xi32, #tpu.memory_space<vmem>> -> memref<1x512xi32, #tpu.memory_space<vmem>>
      %dma_start3A_281 = tpu.memref_squeeze %dma_start3A_280 : memref<1x512xi32, #tpu.memory_space<vmem>> -> memref<512xi32, #tpu.memory_space<vmem>>
      %dma_start3A_282 = arith.constant 0 : i32
      %dma_start3A_283 = arith.constant 0 : i32
      %dma_start3A_284 = tpu.memref_slice %arg4[%dma_start3A_282, %dma_start3A_283] : memref<2621440x16xf32, #tpu.memory_space<hbm>> -> memref<2621440x16xf32, #tpu.memory_space<hbm>>
      %dma_start3A_285 = tpu.memref_slice %arg15[%dma_start3A_274] : memref<2x!tpu.dma_semaphore, #tpu.memory_space<semaphore_mem>> -> memref<1x!tpu.dma_semaphore, #tpu.memory_space<semaphore_mem>>
      %dma_start3A_286 = tpu.memref_squeeze %dma_start3A_285 : memref<1x!tpu.dma_semaphore, #tpu.memory_space<semaphore_mem>> -> memref<!tpu.dma_semaphore, #tpu.memory_space<semaphore_mem>>
      tpu.enqueue_indirect_dma source(%dma_start3A_284 : memref<2621440x16xf32, #tpu.memory_space<hbm>>) target(%dma_start3A_278 : memref<512x16xf32, #tpu.memory_space<vmem>>) offsets(%dma_start3A_281 : memref<512xi32, #tpu.memory_space<vmem>>) semaphore(%dma_start3A_286 : memref<!tpu.dma_semaphore, #tpu.memory_space<semaphore_mem>>)
      %scan3A_287 = arith.constant 0 : i32
      %scan3A_288 = arith.constant 0 : i32
      %scan3A_289 = arith.constant 32 : i32
      %scan3A_290 = arith.addi %scan3A_288, %scan3A_289 : i32
      %scan3A_291 = arith.constant 1 : i32
      scf.for %scan3A_379 = %scan3A_288 to %scan3A_290 step %scan3A_291  : i32 {
        %mul3A_380 = arith.constant 16 : i32
        %mul3A_381 = arith.muli %scan3A_379, %mul3A_380 : i32
        %get3A = arith.constant 1 : i32
        %get3A_382 = arith.index_cast %get3A : i32 to index
        %get3A_383 = arith.index_cast %mul3A_381 : i32 to index
        %get3A_384 = tpu.vector_load %arg8[%get3A_382, %get3A_383] {strides = array<i32>} : memref<2x512xi32, #tpu.memory_space<vmem>>, vector<16xi32>,
        %shift_right_logical3A = arith.constant 4 : i32
        %shift_right_logical3A_385 = vector.broadcast %shift_right_logical3A : i32 to vector<16xi32>
        %shift_right_logical3A_386 = arith.shrui %get3A_384, %shift_right_logical3A_385 : vector<16xi32>
        %swap3A = arith.constant 1 : i32
        %swap3A_387 = arith.index_cast %swap3A : i32 to index
        %swap3A_388 = arith.index_cast %mul3A_381 : i32 to index
        %swap3A_389 = tpu.vector_load %arg10[%swap3A_387, %swap3A_388] {strides = array<i32>} : memref<2x512xi32, #tpu.memory_space<vmem>>, vector<16xi32>,
        tpu.vector_store %arg10[%swap3A_387, %swap3A_388], %shift_right_logical3A_386 {strides = array<i32>} : memref<2x512xi32, #tpu.memory_space<vmem>>, vector<16xi32>,
      }
      %scan3A_292 = arith.constant 32 : i32
      %dma_start3A_293 = arith.constant 1 : i32
      %dma_start3A_294 = arith.constant 1 : i32
      %dma_start3A_295 = arith.constant 1 : i32
      %dma_start3A_296 = arith.constant 0 : i32
      %dma_start3A_297 = arith.constant 0 : i32
      %dma_start3A_298 = tpu.memref_slice %arg12[%dma_start3A_294, %dma_start3A_296, %dma_start3A_297] : memref<2x512x16xf32, #tpu.memory_space<vmem>> -> memref<1x512x16xf32, #tpu.memory_space<vmem>>
      %dma_start3A_299 = tpu.memref_squeeze %dma_start3A_298 : memref<1x512x16xf32, #tpu.memory_space<vmem>> -> memref<512x16xf32, #tpu.memory_space<vmem>>
      %dma_start3A_300 = arith.constant 0 : i32
      %dma_start3A_301 = tpu.memref_slice %arg10[%dma_start3A_293, %dma_start3A_300] : memref<2x512xi32, #tpu.memory_space<vmem>> -> memref<1x512xi32, #tpu.memory_space<vmem>>
      %dma_start3A_302 = tpu.memref_squeeze %dma_start3A_301 : memref<1x512xi32, #tpu.memory_space<vmem>> -> memref<512xi32, #tpu.memory_space<vmem>>
      %dma_start3A_303 = arith.constant 0 : i32
      %dma_start3A_304 = arith.constant 0 : i32
      %dma_start3A_305 = tpu.memref_slice %arg5[%dma_start3A_303, %dma_start3A_304] : memref<162500x16xf32, #tpu.memory_space<hbm>> -> memref<162500x16xf32, #tpu.memory_space<hbm>>
      %dma_start3A_306 = tpu.memref_slice %arg16[%dma_start3A_295] : memref<2x!tpu.dma_semaphore, #tpu.memory_space<semaphore_mem>> -> memref<1x!tpu.dma_semaphore, #tpu.memory_space<semaphore_mem>>
      %dma_start3A_307 = tpu.memref_squeeze %dma_start3A_306 : memref<1x!tpu.dma_semaphore, #tpu.memory_space<semaphore_mem>> -> memref<!tpu.dma_semaphore, #tpu.memory_space<semaphore_mem>>
      tpu.enqueue_indirect_dma source(%dma_start3A_305 : memref<162500x16xf32, #tpu.memory_space<hbm>>) target(%dma_start3A_299 : memref<512x16xf32, #tpu.memory_space<vmem>>) offsets(%dma_start3A_302 : memref<512xi32, #tpu.memory_space<vmem>>) semaphore(%dma_start3A_307 : memref<!tpu.dma_semaphore, #tpu.memory_space<semaphore_mem>>)
      %add3A_308 = arith.constant 1 : i32
      %add3A_309 = arith.addi %add3A_239, %add3A_308 : i32
      %lt3A_310 = arith.constant 26 : i32
      %lt3A_311 = arith.cmpi slt, %add3A_309, %lt3A_310 : i32
      %convert_element_type3A_312 = arith.extui %lt3A_311 : i1 to i32
      %cond3A_313 = arith.constant 0 : i32
      %cond3A_314 = arith.cmpi ne, %convert_element_type3A_312, %cond3A_313 : i32
      scf.if %cond3A_314 {
        %add3A_379 = arith.constant 1 : i32
        %add3A_380 = arith.addi %add3A_239, %add3A_379 : i32
        %mul3A_381 = arith.constant 512 : i32
        %mul3A_382 = arith.muli %add3A_380, %mul3A_381 : i32
        %add3A_383 = arith.addi %mul3A_2, %mul3A_382 : i32
        %dma_start3A_384 = arith.constant 0 : i32
        %dma_start3A_385 = arith.constant 0 : i32
        %dma_start3A_386 = arith.constant 0 : i32
        %dma_start3A_387 = tpu.memref_slice %arg8[%dma_start3A_384, %dma_start3A_386] : memref<2x512xi32, #tpu.memory_space<vmem>> -> memref<1x512xi32, #tpu.memory_space<vmem>>
        %dma_start3A_388 = tpu.memref_squeeze %dma_start3A_387 : memref<1x512xi32, #tpu.memory_space<vmem>> -> memref<512xi32, #tpu.memory_space<vmem>>
        %dma_start3A_389 = tpu.memref_slice %arg2[%add3A_383] : memref<425984xi32, #tpu.memory_space<hbm>> -> memref<512xi32, #tpu.memory_space<hbm>>
        %dma_start3A_390 = tpu.memref_slice %arg14[%dma_start3A_385] : memref<2x!tpu.dma_semaphore, #tpu.memory_space<semaphore_mem>> -> memref<1x!tpu.dma_semaphore, #tpu.memory_space<semaphore_mem>>
        %dma_start3A_391 = tpu.memref_squeeze %dma_start3A_390 : memref<1x!tpu.dma_semaphore, #tpu.memory_space<semaphore_mem>> -> memref<!tpu.dma_semaphore, #tpu.memory_space<semaphore_mem>>
        %dma_start3A_392 = arith.constant 0 : i32
        %dma_start3A_393 = tpu.memref_slice %arg8[%dma_start3A_384, %dma_start3A_392] : memref<2x512xi32, #tpu.memory_space<vmem>> -> memref<1x512xi32, #tpu.memory_space<vmem>>
        %dma_start3A_394 = tpu.memref_squeeze %dma_start3A_393 : memref<1x512xi32, #tpu.memory_space<vmem>> -> memref<512xi32, #tpu.memory_space<vmem>>
        %dma_start3A_395 = tpu.memref_slice %arg2[%add3A_383] : memref<425984xi32, #tpu.memory_space<hbm>> -> memref<512xi32, #tpu.memory_space<hbm>>
        tpu.enqueue_dma source(%dma_start3A_395 : memref<512xi32, #tpu.memory_space<hbm>>) target(%dma_start3A_394 : memref<512xi32, #tpu.memory_space<vmem>>) target_semaphore(%dma_start3A_391 : memref<!tpu.dma_semaphore, #tpu.memory_space<semaphore_mem>>)
        %dma_start3A_396 = arith.constant 0 : i32
        %dma_start3A_397 = arith.constant 0 : i32
        %dma_start3A_398 = arith.constant 0 : i32
        %dma_start3A_399 = tpu.memref_slice %arg9[%dma_start3A_396, %dma_start3A_398] : memref<2x512xi32, #tpu.memory_space<vmem>> -> memref<1x512xi32, #tpu.memory_space<vmem>>
        %dma_start3A_400 = tpu.memref_squeeze %dma_start3A_399 : memref<1x512xi32, #tpu.memory_space<vmem>> -> memref<512xi32, #tpu.memory_space<vmem>>
        %dma_start3A_401 = tpu.memref_slice %arg3[%add3A_383] : memref<425984xi32, #tpu.memory_space<hbm>> -> memref<512xi32, #tpu.memory_space<hbm>>
        %dma_start3A_402 = tpu.memref_slice %arg14[%dma_start3A_397] : memref<2x!tpu.dma_semaphore, #tpu.memory_space<semaphore_mem>> -> memref<1x!tpu.dma_semaphore, #tpu.memory_space<semaphore_mem>>
        %dma_start3A_403 = tpu.memref_squeeze %dma_start3A_402 : memref<1x!tpu.dma_semaphore, #tpu.memory_space<semaphore_mem>> -> memref<!tpu.dma_semaphore, #tpu.memory_space<semaphore_mem>>
        %dma_start3A_404 = arith.constant 0 : i32
        %dma_start3A_405 = tpu.memref_slice %arg9[%dma_start3A_396, %dma_start3A_404] : memref<2x512xi32, #tpu.memory_space<vmem>> -> memref<1x512xi32, #tpu.memory_space<vmem>>
        %dma_start3A_406 = tpu.memref_squeeze %dma_start3A_405 : memref<1x512xi32, #tpu.memory_space<vmem>> -> memref<512xi32, #tpu.memory_space<vmem>>
        %dma_start3A_407 = tpu.memref_slice %arg3[%add3A_383] : memref<425984xi32, #tpu.memory_space<hbm>> -> memref<512xi32, #tpu.memory_space<hbm>>
        tpu.enqueue_dma source(%dma_start3A_407 : memref<512xi32, #tpu.memory_space<hbm>>) target(%dma_start3A_406 : memref<512xi32, #tpu.memory_space<vmem>>) target_semaphore(%dma_start3A_403 : memref<!tpu.dma_semaphore, #tpu.memory_space<semaphore_mem>>)
      } else {
      }
      %dma_wait3A_315 = arith.constant 1 : i32
      %dma_wait3A_316 = arith.constant 1 : i32
      %dma_wait3A_317 = arith.constant 1 : i32
      %dma_wait3A_318 = arith.constant 0 : i32
      %dma_wait3A_319 = arith.constant 0 : i32
      %dma_wait3A_320 = tpu.memref_slice %arg11[%dma_wait3A_316, %dma_wait3A_318, %dma_wait3A_319] : memref<2x512x16xf32, #tpu.memory_space<vmem>> -> memref<1x512x16xf32, #tpu.memory_space<vmem>>
      %dma_wait3A_321 = tpu.memref_squeeze %dma_wait3A_320 : memref<1x512x16xf32, #tpu.memory_space<vmem>> -> memref<512x16xf32, #tpu.memory_space<vmem>>
      %dma_wait3A_322 = arith.constant 0 : i32
      %dma_wait3A_323 = tpu.memref_slice %arg9[%dma_wait3A_315, %dma_wait3A_322] : memref<2x512xi32, #tpu.memory_space<vmem>> -> memref<1x512xi32, #tpu.memory_space<vmem>>
      %dma_wait3A_324 = tpu.memref_squeeze %dma_wait3A_323 : memref<1x512xi32, #tpu.memory_space<vmem>> -> memref<512xi32, #tpu.memory_space<vmem>>
      %dma_wait3A_325 = arith.constant 0 : i32
      %dma_wait3A_326 = arith.constant 0 : i32
      %dma_wait3A_327 = tpu.memref_slice %arg4[%dma_wait3A_325, %dma_wait3A_326] : memref<2621440x16xf32, #tpu.memory_space<hbm>> -> memref<2621440x16xf32, #tpu.memory_space<hbm>>
      %dma_wait3A_328 = tpu.memref_slice %arg15[%dma_wait3A_317] : memref<2x!tpu.dma_semaphore, #tpu.memory_space<semaphore_mem>> -> memref<1x!tpu.dma_semaphore, #tpu.memory_space<semaphore_mem>>
      %dma_wait3A_329 = tpu.memref_squeeze %dma_wait3A_328 : memref<1x!tpu.dma_semaphore, #tpu.memory_space<semaphore_mem>> -> memref<!tpu.dma_semaphore, #tpu.memory_space<semaphore_mem>>
      tpu.wait_indirect_dma semaphore(%dma_wait3A_329 : memref<!tpu.dma_semaphore, #tpu.memory_space<semaphore_mem>>) src(%dma_wait3A_327 : memref<2621440x16xf32, #tpu.memory_space<hbm>>) dst(%dma_wait3A_321 : memref<512x16xf32, #tpu.memory_space<vmem>>)
      %dma_start3A_330 = arith.constant 1 : i32
      %dma_start3A_331 = arith.constant 1 : i32
      %dma_start3A_332 = arith.constant 0 : i32
      %dma_start3A_333 = arith.constant 0 : i32
      %dma_start3A_334 = tpu.memref_slice %arg11[%dma_start3A_330, %dma_start3A_332, %dma_start3A_333] : memref<2x512x16xf32, #tpu.memory_space<vmem>> -> memref<1x512x16xf32, #tpu.memory_space<vmem>>
      %dma_start3A_335 = tpu.memref_squeeze %dma_start3A_334 : memref<1x512x16xf32, #tpu.memory_space<vmem>> -> memref<512x16xf32, #tpu.memory_space<vmem>>
      %dma_start3A_336 = arith.constant 0 : i32
      %dma_start3A_337 = tpu.memref_slice %arg6[%add3A_242, %dma_start3A_336] : memref<425984x16xf32, #tpu.memory_space<hbm>> -> memref<512x16xf32, #tpu.memory_space<hbm>>
      %dma_start3A_338 = tpu.memref_slice %arg17[%dma_start3A_331] : memref<2x!tpu.dma_semaphore, #tpu.memory_space<semaphore_mem>> -> memref<1x!tpu.dma_semaphore, #tpu.memory_space<semaphore_mem>>
      %dma_start3A_339 = tpu.memref_squeeze %dma_start3A_338 : memref<1x!tpu.dma_semaphore, #tpu.memory_space<semaphore_mem>> -> memref<!tpu.dma_semaphore, #tpu.memory_space<semaphore_mem>>
      %dma_start3A_340 = arith.constant 0 : i32
      %dma_start3A_341 = tpu.memref_slice %arg6[%add3A_242, %dma_start3A_340] : memref<425984x16xf32, #tpu.memory_space<hbm>> -> memref<512x16xf32, #tpu.memory_space<hbm>>
      %dma_start3A_342 = arith.constant 0 : i32
      %dma_start3A_343 = arith.constant 0 : i32
      %dma_start3A_344 = tpu.memref_slice %arg11[%dma_start3A_330, %dma_start3A_342, %dma_start3A_343] : memref<2x512x16xf32, #tpu.memory_space<vmem>> -> memref<1x512x16xf32, #tpu.memory_space<vmem>>
      %dma_start3A_345 = tpu.memref_squeeze %dma_start3A_344 : memref<1x512x16xf32, #tpu.memory_space<vmem>> -> memref<512x16xf32, #tpu.memory_space<vmem>>
      tpu.enqueue_dma source(%dma_start3A_345 : memref<512x16xf32, #tpu.memory_space<vmem>>) target(%dma_start3A_341 : memref<512x16xf32, #tpu.memory_space<hbm>>) target_semaphore(%dma_start3A_339 : memref<!tpu.dma_semaphore, #tpu.memory_space<semaphore_mem>>)
      %dma_wait3A_346 = arith.constant 1 : i32
      %dma_wait3A_347 = arith.constant 1 : i32
      %dma_wait3A_348 = arith.constant 1 : i32
      %dma_wait3A_349 = arith.constant 0 : i32
      %dma_wait3A_350 = arith.constant 0 : i32
      %dma_wait3A_351 = tpu.memref_slice %arg12[%dma_wait3A_347, %dma_wait3A_349, %dma_wait3A_350] : memref<2x512x16xf32, #tpu.memory_space<vmem>> -> memref<1x512x16xf32, #tpu.memory_space<vmem>>
      %dma_wait3A_352 = tpu.memref_squeeze %dma_wait3A_351 : memref<1x512x16xf32, #tpu.memory_space<vmem>> -> memref<512x16xf32, #tpu.memory_space<vmem>>
      %dma_wait3A_353 = arith.constant 0 : i32
      %dma_wait3A_354 = tpu.memref_slice %arg10[%dma_wait3A_346, %dma_wait3A_353] : memref<2x512xi32, #tpu.memory_space<vmem>> -> memref<1x512xi32, #tpu.memory_space<vmem>>
      %dma_wait3A_355 = tpu.memref_squeeze %dma_wait3A_354 : memref<1x512xi32, #tpu.memory_space<vmem>> -> memref<512xi32, #tpu.memory_space<vmem>>
      %dma_wait3A_356 = arith.constant 0 : i32
      %dma_wait3A_357 = arith.constant 0 : i32
      %dma_wait3A_358 = tpu.memref_slice %arg5[%dma_wait3A_356, %dma_wait3A_357] : memref<162500x16xf32, #tpu.memory_space<hbm>> -> memref<162500x16xf32, #tpu.memory_space<hbm>>
      %dma_wait3A_359 = tpu.memref_slice %arg16[%dma_wait3A_348] : memref<2x!tpu.dma_semaphore, #tpu.memory_space<semaphore_mem>> -> memref<1x!tpu.dma_semaphore, #tpu.memory_space<semaphore_mem>>
      %dma_wait3A_360 = tpu.memref_squeeze %dma_wait3A_359 : memref<1x!tpu.dma_semaphore, #tpu.memory_space<semaphore_mem>> -> memref<!tpu.dma_semaphore, #tpu.memory_space<semaphore_mem>>
      tpu.wait_indirect_dma semaphore(%dma_wait3A_360 : memref<!tpu.dma_semaphore, #tpu.memory_space<semaphore_mem>>) src(%dma_wait3A_358 : memref<162500x16xf32, #tpu.memory_space<hbm>>) dst(%dma_wait3A_352 : memref<512x16xf32, #tpu.memory_space<vmem>>)
      %scan3A_361 = arith.constant 0 : i32
      %scan3A_362 = arith.constant 0 : i32
      %scan3A_363 = arith.constant 32 : i32
      %scan3A_364 = arith.addi %scan3A_362, %scan3A_363 : i32
      %scan3A_365 = arith.constant 1 : i32
      scf.for %scan3A_379 = %scan3A_362 to %scan3A_364 step %scan3A_365  : i32 {
        %mul3A_380 = arith.constant 16 : i32
        %mul3A_381 = arith.muli %scan3A_379, %mul3A_380 : i32
        %get3A = arith.constant 1 : i32
        %get3A_382 = arith.index_cast %get3A : i32 to index
        %get3A_383 = arith.index_cast %mul3A_381 : i32 to index
        %get3A_384 = tpu.vector_load %arg8[%get3A_382, %get3A_383] {strides = array<i32>} : memref<2x512xi32, #tpu.memory_space<vmem>>, vector<16xi32>,
        %and3A = arith.constant 15 : i32
        %and3A_385 = vector.broadcast %and3A : i32 to vector<16xi32>
        %and3A_386 = arith.andi %get3A_384, %and3A_385 : vector<16xi32>
        %mul3A_387 = arith.constant 16 : i32
        %mul3A_388 = arith.muli %scan3A_379, %mul3A_387 : i32
        %add3A_389 = vector.broadcast %mul3A_388 : i32 to vector<16xi32>
        %add3A_390 = arith.addi %iota3A, %add3A_389 : vector<16xi32>
        %gather3A = arith.constant 1 : i32
        %gather3A_391 = arith.constant 0 : i32
        %gather3A_392 = arith.constant 0 : i32
        %gather3A_393 = tpu.memref_slice %arg12[%gather3A, %gather3A_391, %gather3A_392] : memref<2x512x16xf32, #tpu.memory_space<vmem>> -> memref<1x512x16xf32, #tpu.memory_space<vmem>>
        %gather3A_394 = tpu.memref_squeeze %gather3A_393 : memref<1x512x16xf32, #tpu.memory_space<vmem>> -> memref<512x16xf32, #tpu.memory_space<vmem>>
        %gather3A_395 = tpu.vector_load_idx %gather3A_394[%add3A_390, %and3A_386] : memref<512x16xf32, #tpu.memory_space<vmem>>[vector<16xi32>, vector<16xi32>], vector<16xf32>,
        %swap3A = arith.constant 1 : i32
        %swap3A_396 = arith.index_cast %swap3A : i32 to index
        %swap3A_397 = arith.index_cast %mul3A_381 : i32 to index
        %swap3A_398 = tpu.vector_load %arg13[%swap3A_396, %swap3A_397] {strides = array<i32>} : memref<2x512xf32, #tpu.memory_space<vmem>>, vector<16xf32>,
        tpu.vector_store %arg13[%swap3A_396, %swap3A_397], %gather3A_395 {strides = array<i32>} : memref<2x512xf32, #tpu.memory_space<vmem>>, vector<16xf32>,
      }
      %scan3A_366 = arith.constant 32 : i32
      %dma_start3A_367 = arith.constant 1 : i32
      %dma_start3A_368 = arith.constant 1 : i32
      %dma_start3A_369 = arith.constant 0 : i32
      %dma_start3A_370 = tpu.memref_slice %arg13[%dma_start3A_367, %dma_start3A_369] : memref<2x512xf32, #tpu.memory_space<vmem>> -> memref<1x512xf32, #tpu.memory_space<vmem>>
      %dma_start3A_371 = tpu.memref_squeeze %dma_start3A_370 : memref<1x512xf32, #tpu.memory_space<vmem>> -> memref<512xf32, #tpu.memory_space<vmem>>
      %dma_start3A_372 = tpu.memref_slice %arg7[%add3A_242] : memref<425984xf32, #tpu.memory_space<hbm>> -> memref<512xf32, #tpu.memory_space<hbm>>
      %dma_start3A_373 = tpu.memref_slice %arg18[%dma_start3A_368] : memref<2x!tpu.dma_semaphore, #tpu.memory_space<semaphore_mem>> -> memref<1x!tpu.dma_semaphore, #tpu.memory_space<semaphore_mem>>
      %dma_start3A_374 = tpu.memref_squeeze %dma_start3A_373 : memref<1x!tpu.dma_semaphore, #tpu.memory_space<semaphore_mem>> -> memref<!tpu.dma_semaphore, #tpu.memory_space<semaphore_mem>>
      %dma_start3A_375 = tpu.memref_slice %arg7[%add3A_242] : memref<425984xf32, #tpu.memory_space<hbm>> -> memref<512xf32, #tpu.memory_space<hbm>>
      %dma_start3A_376 = arith.constant 0 : i32
      %dma_start3A_377 = tpu.memref_slice %arg13[%dma_start3A_367, %dma_start3A_376] : memref<2x512xf32, #tpu.memory_space<vmem>> -> memref<1x512xf32, #tpu.memory_space<vmem>>
      %dma_start3A_378 = tpu.memref_squeeze %dma_start3A_377 : memref<1x512xf32, #tpu.memory_space<vmem>> -> memref<512xf32, #tpu.memory_space<vmem>>
      tpu.enqueue_dma source(%dma_start3A_378 : memref<512xf32, #tpu.memory_space<vmem>>) target(%dma_start3A_375 : memref<512xf32, #tpu.memory_space<hbm>>) target_semaphore(%dma_start3A_374 : memref<!tpu.dma_semaphore, #tpu.memory_space<semaphore_mem>>)
    }
    %scan3A_32 = arith.constant 13 : i32
    %dma_wait3A = arith.constant 0 : i32
    %dma_wait3A_33 = arith.constant 0 : i32
    %dma_wait3A_34 = arith.constant 0 : i32
    %dma_wait3A_35 = arith.constant 0 : i32
    %dma_wait3A_36 = tpu.memref_slice %arg11[%dma_wait3A, %dma_wait3A_34, %dma_wait3A_35] : memref<2x512x16xf32, #tpu.memory_space<vmem>> -> memref<1x512x16xf32, #tpu.memory_space<vmem>>
    %dma_wait3A_37 = tpu.memref_squeeze %dma_wait3A_36 : memref<1x512x16xf32, #tpu.memory_space<vmem>> -> memref<512x16xf32, #tpu.memory_space<vmem>>
    %dma_wait3A_38 = arith.constant 0 : i32
    %dma_wait3A_39 = arith.constant 0 : i32
    %dma_wait3A_40 = tpu.memref_slice %arg6[%dma_wait3A_38, %dma_wait3A_39] : memref<425984x16xf32, #tpu.memory_space<hbm>> -> memref<512x16xf32, #tpu.memory_space<hbm>>
    %dma_wait3A_41 = tpu.memref_slice %arg17[%dma_wait3A_33] : memref<2x!tpu.dma_semaphore, #tpu.memory_space<semaphore_mem>> -> memref<1x!tpu.dma_semaphore, #tpu.memory_space<semaphore_mem>>
    %dma_wait3A_42 = tpu.memref_squeeze %dma_wait3A_41 : memref<1x!tpu.dma_semaphore, #tpu.memory_space<semaphore_mem>> -> memref<!tpu.dma_semaphore, #tpu.memory_space<semaphore_mem>>
    %dma_wait3A_43 = arith.constant 0 : i32
    %dma_wait3A_44 = arith.constant 0 : i32
    %dma_wait3A_45 = tpu.memref_slice %arg6[%dma_wait3A_43, %dma_wait3A_44] : memref<425984x16xf32, #tpu.memory_space<hbm>> -> memref<512x16xf32, #tpu.memory_space<hbm>>
    %dma_wait3A_46 = arith.constant 0 : i32
    %dma_wait3A_47 = arith.constant 0 : i32
    %dma_wait3A_48 = tpu.memref_slice %arg11[%dma_wait3A, %dma_wait3A_46, %dma_wait3A_47] : memref<2x512x16xf32, #tpu.memory_space<vmem>> -> memref<1x512x16xf32, #tpu.memory_space<vmem>>
    %dma_wait3A_49 = tpu.memref_squeeze %dma_wait3A_48 : memref<1x512x16xf32, #tpu.memory_space<vmem>> -> memref<512x16xf32, #tpu.memory_space<vmem>>
    tpu.wait_dma2 semaphore(%dma_wait3A_42 : memref<!tpu.dma_semaphore, #tpu.memory_space<semaphore_mem>>) src(%dma_wait3A_49 : memref<512x16xf32, #tpu.memory_space<vmem>>) dst(%dma_wait3A_45 : memref<512x16xf32, #tpu.memory_space<hbm>>)
    %dma_wait3A_50 = arith.constant 0 : i32
    %dma_wait3A_51 = arith.constant 0 : i32
    %dma_wait3A_52 = arith.constant 0 : i32
    %dma_wait3A_53 = tpu.memref_slice %arg13[%dma_wait3A_50, %dma_wait3A_52] : memref<2x512xf32, #tpu.memory_space<vmem>> -> memref<1x512xf32, #tpu.memory_space<vmem>>
    %dma_wait3A_54 = tpu.memref_squeeze %dma_wait3A_53 : memref<1x512xf32, #tpu.memory_space<vmem>> -> memref<512xf32, #tpu.memory_space<vmem>>
    %dma_wait3A_55 = arith.constant 0 : i32
    %dma_wait3A_56 = tpu.memref_slice %arg7[%dma_wait3A_55] : memref<425984xf32, #tpu.memory_space<hbm>> -> memref<512xf32, #tpu.memory_space<hbm>>
    %dma_wait3A_57 = tpu.memref_slice %arg18[%dma_wait3A_51] : memref<2x!tpu.dma_semaphore, #tpu.memory_space<semaphore_mem>> -> memref<1x!tpu.dma_semaphore, #tpu.memory_space<semaphore_mem>>
    %dma_wait3A_58 = tpu.memref_squeeze %dma_wait3A_57 : memref<1x!tpu.dma_semaphore, #tpu.memory_space<semaphore_mem>> -> memref<!tpu.dma_semaphore, #tpu.memory_space<semaphore_mem>>
    %dma_wait3A_59 = arith.constant 0 : i32
    %dma_wait3A_60 = tpu.memref_slice %arg7[%dma_wait3A_59] : memref<425984xf32, #tpu.memory_space<hbm>> -> memref<512xf32, #tpu.memory_space<hbm>>
    %dma_wait3A_61 = arith.constant 0 : i32
    %dma_wait3A_62 = tpu.memref_slice %arg13[%dma_wait3A_50, %dma_wait3A_61] : memref<2x512xf32, #tpu.memory_space<vmem>> -> memref<1x512xf32, #tpu.memory_space<vmem>>
    %dma_wait3A_63 = tpu.memref_squeeze %dma_wait3A_62 : memref<1x512xf32, #tpu.memory_space<vmem>> -> memref<512xf32, #tpu.memory_space<vmem>>
    tpu.wait_dma2 semaphore(%dma_wait3A_58 : memref<!tpu.dma_semaphore, #tpu.memory_space<semaphore_mem>>) src(%dma_wait3A_63 : memref<512xf32, #tpu.memory_space<vmem>>) dst(%dma_wait3A_60 : memref<512xf32, #tpu.memory_space<hbm>>)
    %dma_wait3A_64 = arith.constant 1 : i32
    %dma_wait3A_65 = arith.constant 1 : i32
    %dma_wait3A_66 = arith.constant 0 : i32
    %dma_wait3A_67 = arith.constant 0 : i32
    %dma_wait3A_68 = tpu.memref_slice %arg11[%dma_wait3A_64, %dma_wait3A_66, %dma_wait3A_67] : memref<2x512x16xf32, #tpu.memory_space<vmem>> -> memref<1x512x16xf32, #tpu.memory_space<vmem>>
    %dma_wait3A_69 = tpu.memref_squeeze %dma_wait3A_68 : memref<1x512x16xf32, #tpu.memory_space<vmem>> -> memref<512x16xf32, #tpu.memory_space<vmem>>
    %dma_wait3A_70 = arith.constant 0 : i32
    %dma_wait3A_71 = arith.constant 0 : i32
    %dma_wait3A_72 = tpu.memref_slice %arg6[%dma_wait3A_70, %dma_wait3A_71] : memref<425984x16xf32, #tpu.memory_space<hbm>> -> memref<512x16xf32, #tpu.memory_space<hbm>>
    %dma_wait3A_73 = tpu.memref_slice %arg17[%dma_wait3A_65] : memref<2x!tpu.dma_semaphore, #tpu.memory_space<semaphore_mem>> -> memref<1x!tpu.dma_semaphore, #tpu.memory_space<semaphore_mem>>
    %dma_wait3A_74 = tpu.memref_squeeze %dma_wait3A_73 : memref<1x!tpu.dma_semaphore, #tpu.memory_space<semaphore_mem>> -> memref<!tpu.dma_semaphore, #tpu.memory_space<semaphore_mem>>
    %dma_wait3A_75 = arith.constant 0 : i32
    %dma_wait3A_76 = arith.constant 0 : i32
    %dma_wait3A_77 = tpu.memref_slice %arg6[%dma_wait3A_75, %dma_wait3A_76] : memref<425984x16xf32, #tpu.memory_space<hbm>> -> memref<512x16xf32, #tpu.memory_space<hbm>>
    %dma_wait3A_78 = arith.constant 0 : i32
    %dma_wait3A_79 = arith.constant 0 : i32
    %dma_wait3A_80 = tpu.memref_slice %arg11[%dma_wait3A_64, %dma_wait3A_78, %dma_wait3A_79] : memref<2x512x16xf32, #tpu.memory_space<vmem>> -> memref<1x512x16xf32, #tpu.memory_space<vmem>>
    %dma_wait3A_81 = tpu.memref_squeeze %dma_wait3A_80 : memref<1x512x16xf32, #tpu.memory_space<vmem>> -> memref<512x16xf32, #tpu.memory_space<vmem>>
    tpu.wait_dma2 semaphore(%dma_wait3A_74 : memref<!tpu.dma_semaphore, #tpu.memory_space<semaphore_mem>>) src(%dma_wait3A_81 : memref<512x16xf32, #tpu.memory_space<vmem>>) dst(%dma_wait3A_77 : memref<512x16xf32, #tpu.memory_space<hbm>>)
    %dma_wait3A_82 = arith.constant 1 : i32
    %dma_wait3A_83 = arith.constant 1 : i32
    %dma_wait3A_84 = arith.constant 0 : i32
    %dma_wait3A_85 = tpu.memref_slice %arg13[%dma_wait3A_82, %dma_wait3A_84] : memref<2x512xf32, #tpu.memory_space<vmem>> -> memref<1x512xf32, #tpu.memory_space<vmem>>
    %dma_wait3A_86 = tpu.memref_squeeze %dma_wait3A_85 : memref<1x512xf32, #tpu.memory_space<vmem>> -> memref<512xf32, #tpu.memory_space<vmem>>
    %dma_wait3A_87 = arith.constant 0 : i32
    %dma_wait3A_88 = tpu.memref_slice %arg7[%dma_wait3A_87] : memref<425984xf32, #tpu.memory_space<hbm>> -> memref<512xf32, #tpu.memory_space<hbm>>
    %dma_wait3A_89 = tpu.memref_slice %arg18[%dma_wait3A_83] : memref<2x!tpu.dma_semaphore, #tpu.memory_space<semaphore_mem>> -> memref<1x!tpu.dma_semaphore, #tpu.memory_space<semaphore_mem>>
    %dma_wait3A_90 = tpu.memref_squeeze %dma_wait3A_89 : memref<1x!tpu.dma_semaphore, #tpu.memory_space<semaphore_mem>> -> memref<!tpu.dma_semaphore, #tpu.memory_space<semaphore_mem>>
    %dma_wait3A_91 = arith.constant 0 : i32
    %dma_wait3A_92 = tpu.memref_slice %arg7[%dma_wait3A_91] : memref<425984xf32, #tpu.memory_space<hbm>> -> memref<512xf32, #tpu.memory_space<hbm>>
    %dma_wait3A_93 = arith.constant 0 : i32
    %dma_wait3A_94 = tpu.memref_slice %arg13[%dma_wait3A_82, %dma_wait3A_93] : memref<2x512xf32, #tpu.memory_space<vmem>> -> memref<1x512xf32, #tpu.memory_space<vmem>>
    %dma_wait3A_95 = tpu.memref_squeeze %dma_wait3A_94 : memref<1x512xf32, #tpu.memory_space<vmem>> -> memref<512xf32, #tpu.memory_space<vmem>>
    tpu.wait_dma2 semaphore(%dma_wait3A_90 : memref<!tpu.dma_semaphore, #tpu.memory_space<semaphore_mem>>) src(%dma_wait3A_95 : memref<512xf32, #tpu.memory_space<vmem>>) dst(%dma_wait3A_92 : memref<512xf32, #tpu.memory_space<hbm>>)
    return
  }
}

module attributes {stable_mosaic.version = 14 : i64} {
  func.func @_tr_body(%arg0: i32, %arg1: memref<16x131072xf32, #tpu.memory_space<vmem>>, %arg2: memref<16384x128xf32, #tpu.memory_space<vmem>>) attributes {dimension_semantics = [#tpu.dimension_semantics<arbitrary>], iteration_bounds = array<i64: 20>, scalar_prefetch = 0 : i64, scratch_operands = 0 : i64, tpu.core_type = #tpu.core_type<tc>, window_params = [{transform_indices = @transform_0, window_bounds = array<i64: 16, 131072>}, {transform_indices = @transform_1, window_bounds = array<i64: 16384, 128>}]} {
    %get3A = arith.constant 0 : index
    %get3A_0 = arith.constant 0 : index
    %get3A_1 = vector.load %arg1[%get3A, %get3A_0] : memref<16x131072xf32, #tpu.memory_space<vmem>>, vector<16x131072xf32>
    %slice3A = vector.extract_strided_slice %get3A_1 {offsets = [0, 0], sizes = [16, 16384], strides = [1, 1]} : vector<16x131072xf32> to vector<16x16384xf32>
    %slice3A_2 = vector.extract_strided_slice %get3A_1 {offsets = [0, 16384], sizes = [16, 16384], strides = [1, 1]} : vector<16x131072xf32> to vector<16x16384xf32>
    %slice3A_3 = vector.extract_strided_slice %get3A_1 {offsets = [0, 32768], sizes = [16, 16384], strides = [1, 1]} : vector<16x131072xf32> to vector<16x16384xf32>
    %slice3A_4 = vector.extract_strided_slice %get3A_1 {offsets = [0, 49152], sizes = [16, 16384], strides = [1, 1]} : vector<16x131072xf32> to vector<16x16384xf32>
    %slice3A_5 = vector.extract_strided_slice %get3A_1 {offsets = [0, 65536], sizes = [16, 16384], strides = [1, 1]} : vector<16x131072xf32> to vector<16x16384xf32>
    %slice3A_6 = vector.extract_strided_slice %get3A_1 {offsets = [0, 81920], sizes = [16, 16384], strides = [1, 1]} : vector<16x131072xf32> to vector<16x16384xf32>
    %slice3A_7 = vector.extract_strided_slice %get3A_1 {offsets = [0, 98304], sizes = [16, 16384], strides = [1, 1]} : vector<16x131072xf32> to vector<16x16384xf32>
    %slice3A_8 = vector.extract_strided_slice %get3A_1 {offsets = [0, 114688], sizes = [16, 16384], strides = [1, 1]} : vector<16x131072xf32> to vector<16x16384xf32>
    %concatenate3A = tpu.concatenate %slice3A, %slice3A_2, %slice3A_3, %slice3A_4, %slice3A_5, %slice3A_6, %slice3A_7, %slice3A_8 in 0 : vector<16x16384xf32>, vector<16x16384xf32>, vector<16x16384xf32>, vector<16x16384xf32>, vector<16x16384xf32>, vector<16x16384xf32>, vector<16x16384xf32>, vector<16x16384xf32> -> vector<128x16384xf32>
    %transpose3A = tpu.transpose %concatenate3A, [1, 0] : vector<128x16384xf32> -> vector<16384x128xf32>
    %swap3A = arith.constant 0 : index
    %swap3A_9 = arith.constant 0 : index
    %swap3A_10 = vector.load %arg2[%swap3A, %swap3A_9] : memref<16384x128xf32, #tpu.memory_space<vmem>>, vector<16384x128xf32>
    tpu.vector_store %arg2[%swap3A, %swap3A_9], %transpose3A {strides = array<i32>} : memref<16384x128xf32, #tpu.memory_space<vmem>>, vector<16384x128xf32>,
    return
  }
  func.func @transform_0(%arg0: i32) -> (i32, i32) {
    %c0_i32 = arith.constant 0 : i32
    %c0_i32_0 = arith.constant 0 : i32
    return %c0_i32, %arg0 : i32, i32
  }
  func.func @transform_1(%arg0: i32) -> (i32, i32) {
    %c0_i32 = arith.constant 0 : i32
    %c0_i32_0 = arith.constant 0 : i32
    return %arg0, %c0_i32 : i32, i32
  }
}

module attributes {stable_mosaic.version = 14 : i64} {
  func.func @_tc_body(%arg0: i32, %arg1: i32, %arg2: memref<1024x416xf32, #tpu.memory_space<vmem>>, %arg3: memref<1024x26xf32, #tpu.memory_space<vmem>>, %arg4: memref<416x400xf32, #tpu.memory_space<vmem>>, %arg5: memref<1x400xf32, #tpu.memory_space<vmem>>, %arg6: memref<1x400xf32, #tpu.memory_space<vmem>>, %arg7: memref<1x400xf32, #tpu.memory_space<vmem>>, %arg8: memref<400x1xf32, #tpu.memory_space<vmem>>, %arg9: memref<1x1xf32, #tpu.memory_space<vmem>>, %arg10: memref<1024x1xf32, #tpu.memory_space<vmem>>, %arg11: memref<16x400xf32, #tpu.memory_space<vmem>>, %arg12: memref<16x400xf32, #tpu.memory_space<vmem>>, %arg13: memref<8x400xf32, #tpu.memory_space<vmem>>) attributes {dimension_semantics = [#tpu.dimension_semantics<arbitrary>, #tpu.dimension_semantics<arbitrary>], iteration_bounds = array<i64: 2, 16>, scalar_prefetch = 0 : i64, scratch_operands = 3 : i64, tpu.core_type = #tpu.core_type<tc>, window_params = [{transform_indices = @transform_0, window_bounds = array<i64: 1024, 416>}, {transform_indices = @transform_1, window_bounds = array<i64: 1024, 26>}, {pipeline_mode = #tpu.pipeline_mode<synchronous>, transform_indices = @transform_2, window_bounds = array<i64: 416, 400>}, {pipeline_mode = #tpu.pipeline_mode<synchronous>, transform_indices = @transform_3, window_bounds = array<i64: 1, 400>}, {pipeline_mode = #tpu.pipeline_mode<synchronous>, transform_indices = @transform_4, window_bounds = array<i64: 1, 400>}, {pipeline_mode = #tpu.pipeline_mode<synchronous>, transform_indices = @transform_5, window_bounds = array<i64: 1, 400>}, {pipeline_mode = #tpu.pipeline_mode<synchronous>, transform_indices = @transform_6, window_bounds = array<i64: 400, 1>}, {pipeline_mode = #tpu.pipeline_mode<synchronous>, transform_indices = @transform_7, window_bounds = array<i64: 1, 1>}, {transform_indices = @transform_8, window_bounds = array<i64: 1024, 1>}]} {
    %get3A = arith.constant 0 : index
    %get3A_0 = arith.constant 0 : index
    %get3A_1 = vector.load %arg2[%get3A, %get3A_0] : memref<1024x416xf32, #tpu.memory_space<vmem>>, vector<1024x416xf32>
    %get3A_2 = arith.constant 0 : index
    %get3A_3 = arith.constant 0 : index
    %get3A_4 = vector.load %arg4[%get3A_2, %get3A_3] : memref<416x400xf32, #tpu.memory_space<vmem>>, vector<416x400xf32>
    %dot_general3A = arith.constant dense<0.000000e+00> : vector<1024x400xf32>
    %dot_general3A_5 = tpu.matmul %get3A_1, %get3A_4, %dot_general3A {dimension_numbers = #tpu.dot_dimension_numbers<[1], [0], [0], [1], [0, 0, 1, 1], [], []>, transpose_lhs_hint = false} : vector<1024x416xf32>, vector<416x400xf32>, vector<1024x400xf32> -> vector<1024x400xf32>
    %get3A_6 = arith.constant 0 : index
    %get3A_7 = arith.constant 0 : index
    %get3A_8 = vector.load %arg5[%get3A_6, %get3A_7] : memref<1x400xf32, #tpu.memory_space<vmem>>, vector<1x400xf32>
    %add3A = vector.broadcast %get3A_8 : vector<1x400xf32> to vector<1024x400xf32>
    %add3A_9 = arith.addf %dot_general3A_5, %add3A : vector<1024x400xf32>
    %eq3A = arith.constant 0 : i32
    %eq3A_10 = arith.cmpi eq, %arg0, %eq3A : i32
    %convert_element_type3A = arith.extui %eq3A_10 : i1 to i32
    %cond3A = arith.constant 0 : i32
    %cond3A_11 = arith.cmpi ne, %convert_element_type3A, %cond3A : i32
    scf.if %cond3A_11 {
      %reduce_sum3A = arith.constant dense<0.000000e+00> : vector<400xf32>
      %reduce_sum3A_17 = vector.multi_reduction <add>, %add3A_9, %reduce_sum3A [0] : vector<1024x400xf32> to vector<400xf32>
      %broadcast_in_dim3A = vector.shape_cast %reduce_sum3A_17 : vector<400xf32> to vector<1x400xf32>
      %div3A = arith.constant 1.024000e+03 : f32
      %div3A_18 = vector.broadcast %div3A : f32 to vector<1x400xf32>
      %div3A_19 = arith.divf %broadcast_in_dim3A, %div3A_18 : vector<1x400xf32>
      %sub3A = vector.broadcast %div3A_19 : vector<1x400xf32> to vector<1024x400xf32>
      %sub3A_20 = arith.subf %add3A_9, %sub3A : vector<1024x400xf32>
      %swap3A = arith.index_cast %arg1 : i32 to index
      %swap3A_21 = arith.constant 0 : index
      %swap3A_22 = vector.load %arg11[%swap3A, %swap3A_21] : memref<16x400xf32, #tpu.memory_space<vmem>>, vector<1x400xf32>
      tpu.vector_store %arg11[%swap3A, %swap3A_21], %div3A_19 {strides = array<i32>} : memref<16x400xf32, #tpu.memory_space<vmem>>, vector<1x400xf32>,
      %mul3A = arith.mulf %sub3A_20, %sub3A_20 : vector<1024x400xf32>
      %reduce_sum3A_23 = arith.constant dense<0.000000e+00> : vector<400xf32>
      %reduce_sum3A_24 = vector.multi_reduction <add>, %mul3A, %reduce_sum3A_23 [0] : vector<1024x400xf32> to vector<400xf32>
      %broadcast_in_dim3A_25 = vector.shape_cast %reduce_sum3A_24 : vector<400xf32> to vector<1x400xf32>
      %swap3A_26 = arith.index_cast %arg1 : i32 to index
      %swap3A_27 = arith.constant 0 : index
      %swap3A_28 = vector.load %arg12[%swap3A_26, %swap3A_27] : memref<16x400xf32, #tpu.memory_space<vmem>>, vector<1x400xf32>
      tpu.vector_store %arg12[%swap3A_26, %swap3A_27], %broadcast_in_dim3A_25 {strides = array<i32>} : memref<16x400xf32, #tpu.memory_space<vmem>>, vector<1x400xf32>,
      %eq3A_29 = arith.constant 15 : i32
      %eq3A_30 = arith.cmpi eq, %arg1, %eq3A_29 : i32
      %convert_element_type3A_31 = arith.extui %eq3A_30 : i1 to i32
      %cond3A_32 = arith.constant 0 : i32
      %cond3A_33 = arith.cmpi ne, %convert_element_type3A_31, %cond3A_32 : i32
      scf.if %cond3A_33 {
        %get3A_34 = arith.constant 0 : index
        %get3A_35 = arith.constant 0 : index
        %get3A_36 = vector.load %arg11[%get3A_34, %get3A_35] : memref<16x400xf32, #tpu.memory_space<vmem>>, vector<16x400xf32>
        %reduce_sum3A_37 = arith.constant dense<0.000000e+00> : vector<400xf32>
        %reduce_sum3A_38 = vector.multi_reduction <add>, %get3A_36, %reduce_sum3A_37 [0] : vector<16x400xf32> to vector<400xf32>
        %broadcast_in_dim3A_39 = vector.shape_cast %reduce_sum3A_38 : vector<400xf32> to vector<1x400xf32>
        %div3A_40 = arith.constant 1.600000e+01 : f32
        %div3A_41 = vector.broadcast %div3A_40 : f32 to vector<1x400xf32>
        %div3A_42 = arith.divf %broadcast_in_dim3A_39, %div3A_41 : vector<1x400xf32>
        %get3A_43 = arith.constant 0 : index
        %get3A_44 = arith.constant 0 : index
        %get3A_45 = vector.load %arg11[%get3A_43, %get3A_44] : memref<16x400xf32, #tpu.memory_space<vmem>>, vector<16x400xf32>
        %sub3A_46 = vector.broadcast %div3A_42 : vector<1x400xf32> to vector<16x400xf32>
        %sub3A_47 = arith.subf %get3A_45, %sub3A_46 : vector<16x400xf32>
        %get3A_48 = arith.constant 0 : index
        %get3A_49 = arith.constant 0 : index
        %get3A_50 = vector.load %arg12[%get3A_48, %get3A_49] : memref<16x400xf32, #tpu.memory_space<vmem>>, vector<16x400xf32>
        %reduce_sum3A_51 = arith.constant dense<0.000000e+00> : vector<400xf32>
        %reduce_sum3A_52 = vector.multi_reduction <add>, %get3A_50, %reduce_sum3A_51 [0] : vector<16x400xf32> to vector<400xf32>
        %broadcast_in_dim3A_53 = vector.shape_cast %reduce_sum3A_52 : vector<400xf32> to vector<1x400xf32>
        %mul3A_54 = arith.mulf %sub3A_47, %sub3A_47 : vector<16x400xf32>
        %reduce_sum3A_55 = arith.constant dense<0.000000e+00> : vector<400xf32>
        %reduce_sum3A_56 = vector.multi_reduction <add>, %mul3A_54, %reduce_sum3A_55 [0] : vector<16x400xf32> to vector<400xf32>
        %broadcast_in_dim3A_57 = vector.shape_cast %reduce_sum3A_56 : vector<400xf32> to vector<1x400xf32>
        %mul3A_58 = arith.constant 1.024000e+03 : f32
        %mul3A_59 = vector.broadcast %mul3A_58 : f32 to vector<1x400xf32>
        %mul3A_60 = arith.mulf %mul3A_59, %broadcast_in_dim3A_57 : vector<1x400xf32>
        %add3A_61 = arith.addf %broadcast_in_dim3A_53, %mul3A_60 : vector<1x400xf32>
        %div3A_62 = arith.constant 1.638400e+04 : f32
        %div3A_63 = vector.broadcast %div3A_62 : f32 to vector<1x400xf32>
        %div3A_64 = arith.divf %add3A_61, %div3A_63 : vector<1x400xf32>
        %get3A_65 = arith.constant 0 : index
        %get3A_66 = arith.constant 0 : index
        %get3A_67 = vector.load %arg6[%get3A_65, %get3A_66] : memref<1x400xf32, #tpu.memory_space<vmem>>, vector<1x400xf32>
        %add3A_68 = arith.constant 9.99999974E-6 : f32
        %add3A_69 = vector.broadcast %add3A_68 : f32 to vector<1x400xf32>
        %add3A_70 = arith.addf %div3A_64, %add3A_69 : vector<1x400xf32>
        %rsqrt3A = math.rsqrt %add3A_70 : vector<1x400xf32>
        %mul3A_71 = arith.mulf %get3A_67, %rsqrt3A : vector<1x400xf32>
        %get3A_72 = arith.constant 0 : index
        %get3A_73 = arith.constant 0 : index
        %get3A_74 = vector.load %arg7[%get3A_72, %get3A_73] : memref<1x400xf32, #tpu.memory_space<vmem>>, vector<1x400xf32>
        %mul3A_75 = arith.mulf %div3A_42, %mul3A_71 : vector<1x400xf32>
        %sub3A_76 = arith.subf %get3A_74, %mul3A_75 : vector<1x400xf32>
        %swap3A_77 = arith.constant 0 : index
        %swap3A_78 = arith.constant 0 : index
        %swap3A_79 = vector.load %arg13[%swap3A_77, %swap3A_78] : memref<8x400xf32, #tpu.memory_space<vmem>>, vector<1x400xf32>
        tpu.vector_store %arg13[%swap3A_77, %swap3A_78], %mul3A_71 {strides = array<i32>} : memref<8x400xf32, #tpu.memory_space<vmem>>, vector<1x400xf32>,
        %swap3A_80 = arith.constant 1 : index
        %swap3A_81 = arith.constant 0 : index
        %swap3A_82 = vector.load %arg13[%swap3A_80, %swap3A_81] : memref<8x400xf32, #tpu.memory_space<vmem>>, vector<1x400xf32>
        tpu.vector_store %arg13[%swap3A_80, %swap3A_81], %sub3A_76 {strides = array<i32>} : memref<8x400xf32, #tpu.memory_space<vmem>>, vector<1x400xf32>,
      } else {
      }
    } else {
    }
    %eq3A_12 = arith.constant 1 : i32
    %eq3A_13 = arith.cmpi eq, %arg0, %eq3A_12 : i32
    %convert_element_type3A_14 = arith.extui %eq3A_13 : i1 to i32
    %cond3A_15 = arith.constant 0 : i32
    %cond3A_16 = arith.cmpi ne, %convert_element_type3A_14, %cond3A_15 : i32
    scf.if %cond3A_16 {
      %get3A_17 = arith.constant 0 : index
      %get3A_18 = arith.constant 0 : index
      %get3A_19 = vector.load %arg13[%get3A_17, %get3A_18] : memref<8x400xf32, #tpu.memory_space<vmem>>, vector<1x400xf32>
      %get3A_20 = arith.constant 1 : index
      %get3A_21 = arith.constant 0 : index
      %get3A_22 = vector.load %arg13[%get3A_20, %get3A_21] : memref<8x400xf32, #tpu.memory_space<vmem>>, vector<1x400xf32>
      %mul3A = vector.broadcast %get3A_19 : vector<1x400xf32> to vector<1024x400xf32>
      %mul3A_23 = arith.mulf %add3A_9, %mul3A : vector<1024x400xf32>
      %add3A_24 = vector.broadcast %get3A_22 : vector<1x400xf32> to vector<1024x400xf32>
      %add3A_25 = arith.addf %mul3A_23, %add3A_24 : vector<1024x400xf32>
      %max3A = arith.constant 0.000000e+00 : f32
      %max3A_26 = vector.broadcast %max3A : f32 to vector<1024x400xf32>
      %max3A_27 = arith.maximumf %add3A_25, %max3A_26 : vector<1024x400xf32>
      %get3A_28 = arith.constant 0 : index
      %get3A_29 = arith.constant 0 : index
      %get3A_30 = vector.load %arg8[%get3A_28, %get3A_29] : memref<400x1xf32, #tpu.memory_space<vmem>>, vector<400x1xf32>
      %dot_general3A_31 = arith.constant dense<0.000000e+00> : vector<1024x1xf32>
      %dot_general3A_32 = tpu.matmul %max3A_27, %get3A_30, %dot_general3A_31 {dimension_numbers = #tpu.dot_dimension_numbers<[1], [0], [0], [1], [0, 0, 1, 1], [], []>, transpose_lhs_hint = false} : vector<1024x400xf32>, vector<400x1xf32>, vector<1024x1xf32> -> vector<1024x1xf32>
      %iota3A = tpu.iota {dimensions = array<i32: 0>} : vector<416x16xi32>
      %iota3A_33 = tpu.iota {dimensions = array<i32: 1>} : vector<416x16xi32>
      %jit3A = arith.constant 16 : i32
      %eq3A_34 = arith.constant 0 : i32
      %eq3A_35 = arith.cmpi eq, %jit3A, %eq3A_34 : i32
      %jit3A_36 = arith.constant 1 : i32
      %select_n3A = arith.select %eq3A_35, %jit3A_36, %jit3A : i32
      %rem3A = vector.broadcast %select_n3A : i32 to vector<416x16xi32>
      %rem3A_37 = arith.remsi %iota3A, %rem3A : vector<416x16xi32>
      %ne3A = arith.constant 0 : i32
      %ne3A_38 = vector.broadcast %ne3A : i32 to vector<416x16xi32>
      %ne3A_39 = arith.cmpi ne, %rem3A_37, %ne3A_38 : vector<416x16xi32>
      %lt3A = arith.constant 0 : i32
      %lt3A_40 = vector.broadcast %lt3A : i32 to vector<416x16xi32>
      %lt3A_41 = arith.cmpi slt, %rem3A_37, %lt3A_40 : vector<416x16xi32>
      %lt3A_42 = arith.constant 0 : i32
      %lt3A_43 = arith.cmpi slt, %select_n3A, %lt3A_42 : i32
      %ne3A_44 = vector.broadcast %lt3A_43 : i1 to vector<416x16xi1>
      %ne3A_45 = vector.broadcast %ne3A_44 : vector<416x16xi1> to vector<416x16xi1>
      %ne3A_46 = arith.xori %lt3A_41, %ne3A_45 : vector<416x16xi1>
      %and3A = arith.andi %ne3A_46, %ne3A_39 : vector<416x16xi1>
      %add3A_47 = vector.broadcast %select_n3A : i32 to vector<416x16xi32>
      %add3A_48 = arith.addi %rem3A_37, %add3A_47 : vector<416x16xi32>
      %select_n3A_49 = arith.select %and3A, %add3A_48, %rem3A_37 : vector<416x16xi1>, vector<416x16xi32>
      %eq3A_50 = arith.cmpi eq, %select_n3A_49, %iota3A_33 : vector<416x16xi32>
      %convert_element_type3A_51 = arith.extui %eq3A_50 : vector<416x16xi1> to vector<416x16xi32>
      %convert_element_type3A_52 = arith.sitofp %convert_element_type3A_51 : vector<416x16xi32> to vector<416x16xf32>
      %dot_general3A_53 = arith.constant dense<0.000000e+00> : vector<1024x16xf32>
      %dot_general3A_54 = tpu.matmul %get3A_1, %convert_element_type3A_52, %dot_general3A_53 {dimension_numbers = #tpu.dot_dimension_numbers<[1], [0], [0], [1], [0, 0, 1, 1], [], []>, transpose_lhs_hint = false} : vector<1024x416xf32>, vector<416x16xf32>, vector<1024x16xf32> -> vector<1024x16xf32>
      %mul3A_55 = arith.mulf %dot_general3A_54, %dot_general3A_54 : vector<1024x16xf32>
      %reduce_sum3A = arith.constant dense<0.000000e+00> : vector<1024xf32>
      %reduce_sum3A_56 = vector.multi_reduction <add>, %mul3A_55, %reduce_sum3A [1] : vector<1024x16xf32> to vector<1024xf32>
      %broadcast_in_dim3A = vector.shape_cast %reduce_sum3A_56 : vector<1024xf32> to vector<1024x1xf32>
      %mul3A_57 = arith.mulf %get3A_1, %get3A_1 : vector<1024x416xf32>
      %reduce_sum3A_58 = arith.constant dense<0.000000e+00> : vector<1024xf32>
      %reduce_sum3A_59 = vector.multi_reduction <add>, %mul3A_57, %reduce_sum3A_58 [1] : vector<1024x416xf32> to vector<1024xf32>
      %broadcast_in_dim3A_60 = vector.shape_cast %reduce_sum3A_59 : vector<1024xf32> to vector<1024x1xf32>
      %sub3A = arith.subf %broadcast_in_dim3A, %broadcast_in_dim3A_60 : vector<1024x1xf32>
      %mul3A_61 = arith.constant 5.000000e-01 : f32
      %mul3A_62 = vector.broadcast %mul3A_61 : f32 to vector<1024x1xf32>
      %mul3A_63 = arith.mulf %mul3A_62, %sub3A : vector<1024x1xf32>
      %get3A_64 = arith.constant 0 : index
      %get3A_65 = arith.constant 0 : index
      %get3A_66 = vector.load %arg3[%get3A_64, %get3A_65] : memref<1024x26xf32, #tpu.memory_space<vmem>>, vector<1024x26xf32>
      %reduce_sum3A_67 = arith.constant dense<0.000000e+00> : vector<1024xf32>
      %reduce_sum3A_68 = vector.multi_reduction <add>, %get3A_66, %reduce_sum3A_67 [1] : vector<1024x26xf32> to vector<1024xf32>
      %broadcast_in_dim3A_69 = vector.shape_cast %reduce_sum3A_68 : vector<1024xf32> to vector<1024x1xf32>
      %get3A_70 = arith.constant 0 : index
      %get3A_71 = arith.constant 0 : index
      %get3A_72 = vector.load %arg9[%get3A_70, %get3A_71] : memref<1x1xf32, #tpu.memory_space<vmem>>, vector<1x1xf32>
      %add3A_73 = vector.broadcast %get3A_72 : vector<1x1xf32> to vector<1024x1xf32>
      %add3A_74 = arith.addf %dot_general3A_32, %add3A_73 : vector<1024x1xf32>
      %add3A_75 = arith.addf %add3A_74, %mul3A_63 : vector<1024x1xf32>
      %add3A_76 = arith.addf %add3A_75, %broadcast_in_dim3A_69 : vector<1024x1xf32>
      %neg3A = arith.constant 0.000000e+00 : f32
      %neg3A_77 = vector.broadcast %neg3A : f32 to vector<1024x1xf32>
      %neg3A_78 = arith.subf %neg3A_77, %add3A_76 : vector<1024x1xf32>
      %exp3A = math.exp %neg3A_78 : vector<1024x1xf32>
      %add3A_79 = arith.constant 1.000000e+00 : f32
      %add3A_80 = vector.broadcast %add3A_79 : f32 to vector<1024x1xf32>
      %add3A_81 = arith.addf %add3A_80, %exp3A : vector<1024x1xf32>
      %div3A = arith.constant 1.000000e+00 : f32
      %div3A_82 = vector.broadcast %div3A : f32 to vector<1024x1xf32>
      %div3A_83 = arith.divf %div3A_82, %add3A_81 : vector<1024x1xf32>
      %swap3A = arith.constant 0 : index
      %swap3A_84 = arith.constant 0 : index
      %swap3A_85 = vector.load %arg10[%swap3A, %swap3A_84] : memref<1024x1xf32, #tpu.memory_space<vmem>>, vector<1024x1xf32>
      tpu.vector_store %arg10[%swap3A, %swap3A_84], %div3A_83 {strides = array<i32>} : memref<1024x1xf32, #tpu.memory_space<vmem>>, vector<1024x1xf32>,
    } else {
    }
    return
  }
  func.func @transform_0(%arg0: i32, %arg1: i32) -> (i32, i32) {
    %c0_i32 = arith.constant 0 : i32
    %c0_i32_0 = arith.constant 0 : i32
    return %arg1, %c0_i32 : i32, i32
  }
  func.func @transform_1(%arg0: i32, %arg1: i32) -> (i32, i32) {
    %c0_i32 = arith.constant 0 : i32
    %c0_i32_0 = arith.constant 0 : i32
    return %arg1, %c0_i32 : i32, i32
  }
  func.func @transform_2(%arg0: i32, %arg1: i32) -> (i32, i32) {
    %c0_i32 = arith.constant 0 : i32
    %c0_i32_0 = arith.constant 0 : i32
    %c0_i32_1 = arith.constant 0 : i32
    return %c0_i32, %c0_i32_0 : i32, i32
  }
  func.func @transform_3(%arg0: i32, %arg1: i32) -> (i32, i32) {
    %c0_i32 = arith.constant 0 : i32
    %c0_i32_0 = arith.constant 0 : i32
    %c0_i32_1 = arith.constant 0 : i32
    return %c0_i32, %c0_i32_0 : i32, i32
  }
  func.func @transform_4(%arg0: i32, %arg1: i32) -> (i32, i32) {
    %c0_i32 = arith.constant 0 : i32
    %c0_i32_0 = arith.constant 0 : i32
    %c0_i32_1 = arith.constant 0 : i32
    return %c0_i32, %c0_i32_0 : i32, i32
  }
  func.func @transform_5(%arg0: i32, %arg1: i32) -> (i32, i32) {
    %c0_i32 = arith.constant 0 : i32
    %c0_i32_0 = arith.constant 0 : i32
    %c0_i32_1 = arith.constant 0 : i32
    return %c0_i32, %c0_i32_0 : i32, i32
  }
  func.func @transform_6(%arg0: i32, %arg1: i32) -> (i32, i32) {
    %c0_i32 = arith.constant 0 : i32
    %c0_i32_0 = arith.constant 0 : i32
    %c0_i32_1 = arith.constant 0 : i32
    return %c0_i32, %c0_i32_0 : i32, i32
  }
  func.func @transform_7(%arg0: i32, %arg1: i32) -> (i32, i32) {
    %c0_i32 = arith.constant 0 : i32
    %c0_i32_0 = arith.constant 0 : i32
    %c0_i32_1 = arith.constant 0 : i32
    return %c0_i32, %c0_i32_0 : i32, i32
  }
  func.func @transform_8(%arg0: i32, %arg1: i32) -> (i32, i32) {
    %c0_i32 = arith.constant 0 : i32
    %c0_i32_0 = arith.constant 0 : i32
    return %arg1, %c0_i32 : i32, i32
  }
}

</mosaic_0001>

<sc_bundles>
// kernel: kernel.5.cloned.1.call-start
scs
__scs_entry_jumppad:
0x0: {  	(pc) =	sbr.rel $0x88, $3  }
0x1: {  	(tag) =	ssettag $0x0;
	lr =	simm.s32 $0x1  }
0x2: {  	[smem:$0x3F98] =	sst lr;
	_ =	strace $0xD0000000  }
0x3: {  	_ = 	snop  }
0x4: {  	_ = 	snop  }
0x5: {  	_ = 	snop  }
0x6: {  	_ = 	snop  }
0x7: {  	_ = 	snop  }
__scs_overlays_trampoline_lowered:
0x8: {  	[smem:$0x3FA7] =	sst s0  }
0x9: {  	[smem:$0x3FA8] =	sst s1  }
0xa: {  	[smem:$0x3FA9] =	sst s2  }
0xb: {  	[smem:$0x3FAA] =	sst s3  }
0xc: {  	[smem:$0x3FAB] =	sst s4  }
0xd: {  	[smem:$0x3FAC] =	sst s5  }
0xe: {  	[smem:$0x3FAD] =	sst s6  }
0xf: {  	[smem:$0x3FAE] =	sst s7  }
0x10: {  	[smem:$0x3FAF] =	sst s8  }
0x11: {  	[smem:$0x3FB0] =	sst s9;
	s0 =	simm.s32 @!p0 $0x0  }
0x12: {  	s1 =	sld [smem:$0x3F96];
	s0 =	simm.s32 @p0 $0x1  }
0x13: {  	[smem:$0x3FB1] =	sst s0;
	s0 =	simm.s32 @!p1 $0x0  }
0x14: {  	s2 =	sld [smem:$0x3F95];
	s0 =	simm.s32 @p1 $0x1  }
0x15: {  	[smem:$0x3FB2] =	sst s0;
	s0 =	simm.s32 @!p2 $0x0  }
0x16: {  	s3 =	sld [smem:$0x3FDB];
	s0 =	simm.s32 @p2 $0x1  }
0x17: {  	s4 =	simm.s32 $0x1BF5;
	[smem:$0x3FB4] =	sst s0  }
0x18: {  	s0 =	sld [smem:$0x3F97];
	_ =	swait.ge [sflag:s4], $0x0  }
0x19: {  	s7 =	sld [smem:$0x3F98]  }
0x1a: {  	s8 =	sadd.s32 $0xFFFFE003, lr  }
0x1b: {  	s9 =	sadd.s32 $0xFFFFFEF7, lr;
	s5 =	simm.s32 $0xFFFFFFFF;
	p2 =	slt.u32 s8, $0xFFFFF086  }
0x1c: {  	p1 =	slt.u32 s9, $0xF7A;
	s5 =	simm.s32 @!p2 $0x0  }
0x1d: {  	s5 =	simm.s32 @p1 $0x1;
	p0 =	seq.s32 s7, s2  }
0x1e: {  	s7 =	smul.u32 @!p0 $0xF7A, s2;
	p2 =	seq.s32 @!p0 s5, $0x0  }
0x1f: {  	s9 =	smul.u32 $0xF7A, s1;
	s8 =	simm.s32 @!p0 $0x1BF5;
	p2 =	por !p2, p0  }
0x20: {  	[sflag:s8] =	ssyncset.s32 @!p0 $0xFFFFF086;
	s6 =	sadd.s32 @!p0 s3, s7;
	s7 =	simm.s32 @!p0 $0x108  }
0x21: {  	s3 =	sadd.s32 s3, s9;
	s6 =	sadd.s32 @!p0 $0x88, s6;
	s7 =	simm.s32 @p2 $0x1082  }
0x22: {  	[simem:s7], [sflag:s8] =	dma.local @!p0 [hbm:s6], $0xF7A  }
0x23: {  	s9 =	sor.u32 $0xD0000000, s2;
	s6 =	simm.s32 $0x108;
	_ =	swait.ge @!p0 [sflag:s8], $0x0  }
0x24: {  	s3 =	sadd.s32 $0x88, s3;
	s6 =	simm.s32 @!p1 $0x1082;
	[sflag:s4] =	ssyncset.s32 $0xFFFFF086  }
0x25: {  	[simem:s6], [sflag:s4] =	dma.local [hbm:s3], $0xF7A  }
0x26: {  	[smem:$0x3F98] =	sst s1;
	(tag) =	ssettag s2;
	_ =	strace s9  }
0x27: {  	s1 =	sld [smem:$0x3FA8]  }
0x28: {  	s2 =	sld [smem:$0x3FA9]  }
0x29: {  	s4 =	sld [smem:$0x3FAB]  }
0x2a: {  	p0 =	seq.s32 s5, $0x0;
	s5 =	sld [smem:$0x3FAC]  }
0x2b: {  	s6 =	sld [smem:$0x3FAD]  }
0x2c: {  	s7 =	sld [smem:$0x3FAE]  }
0x2d: {  	s3 =	simm.s32 $0x108;
	s8 =	sld [smem:$0x3FAF]  }
0x2e: {  	s3 =	simm.s32 @!p0 $0x1082;
	s9 =	sld [smem:$0x3FB0]  }
0x2f: {  	lr =	sadd.s32 s0, s3;
	s0 =	sld [smem:$0x3FA7]  }
0x30: {  	s3 =	sld [smem:$0x3FAA]  }
0x31: {  	[smem:$0x3FB3] =	sst s10  }
0x32: {  	s10 =	sld [smem:$0x3FB1];
	_ =	sdelay $0x3  }
0x33: {  	p0 =	seq.s32 s10, $0x1;
	s10 =	sld [smem:$0x3FB3];
	_ =	sdelay $0x3  }
0x34: {  	[smem:$0x3FB3] =	sst s10  }
0x35: {  	s10 =	sld [smem:$0x3FB2];
	_ =	sdelay $0x3  }
0x36: {  	p1 =	seq.s32 s10, $0x1;
	s10 =	sld [smem:$0x3FB3];
	_ =	sdelay $0x3  }
0x37: {  	[smem:$0x3FB3] =	sst s10  }
0x38: {  	s10 =	sld [smem:$0x3FB4]  }
0x39: {  	_ = 	snop;
	(pc) =	sbr.ind lr, $3  }
0x3a: {  	_ = 	snop  }
0x3b: {  	_ = 	snop  }
0x3c: {  	p2 =	seq.s32 s10, $0x1;
	s10 =	sld [smem:$0x3FB3]  }
0x3d: {  	_ =	shalt  }
0x3e: {  	_ =	shalt  }
0x3f: {  	_ =	shalt  }
0x40: {  	_ =	shalt  }
0x41: {  	_ =	shalt  }
0x42: {  	_ =	shalt  }
0x43: {  	_ =	shalt  }
0x44: {  	_ =	shalt  }
0x45: {  	_ =	shalt  }
0x46: {  	_ =	shalt  }
0x47: {  	_ =	shalt  }
0x48: {  	_ =	shalt  }
0x49: {  	_ =	shalt  }
0x4a: {  	_ =	shalt  }
0x4b: {  	_ =	shalt  }
0x4c: {  	_ =	shalt  }
0x4d: {  	_ =	shalt  }
0x4e: {  	_ =	shalt  }
0x4f: {  	_ =	shalt  }
0x50: {  	_ =	shalt  }
0x51: {  	_ =	shalt  }
0x52: {  	_ =	shalt  }
0x53: {  	_ =	shalt  }
0x54: {  	_ =	shalt  }
0x55: {  	_ =	shalt  }
0x56: {  	_ =	shalt  }
0x57: {  	_ =	shalt  }
0x58: {  	_ =	shalt  }
0x59: {  	_ =	shalt  }
0x5a: {  	_ =	shalt  }
0x5b: {  	_ =	shalt  }
0x5c: {  	_ =	shalt  }
0x5d: {  	_ =	shalt  }
0x5e: {  	_ =	shalt  }
0x5f: {  	_ =	shalt  }
0x60: {  	_ =	shalt  }
0x61: {  	_ =	shalt  }
0x62: {  	_ =	shalt  }
0x63: {  	_ =	shalt  }
0x64: {  	_ =	shalt  }
0x65: {  	_ =	shalt  }
0x66: {  	_ =	shalt  }
0x67: {  	_ =	shalt  }
0x68: {  	_ =	shalt  }
0x69: {  	_ =	shalt  }
0x6a: {  	_ =	shalt  }
0x6b: {  	_ =	shalt  }
0x6c: {  	_ =	shalt  }
0x6d: {  	_ =	shalt  }
0x6e: {  	_ =	shalt  }
0x6f: {  	_ =	shalt  }
0x70: {  	_ =	shalt  }
0x71: {  	_ =	shalt  }
0x72: {  	_ =	shalt  }
0x73: {  	_ =	shalt  }
0x74: {  	_ =	shalt  }
0x75: {  	_ =	shalt  }
0x76: {  	_ =	shalt  }
0x77: {  	_ =	shalt  }
0x78: {  	_ =	shalt  }
0x79: {  	_ =	shalt  }
0x7a: {  	_ =	shalt  }
0x7b: {  	_ =	shalt  }
0x7c: {  	_ =	shalt  }
0x7d: {  	_ =	shalt  }
0x7e: {  	_ =	shalt  }
0x7f: {  	_ =	shalt  }
0x80: {  	_ =	shalt  }
0x81: {  	_ =	shalt  }
0x82: {  	_ =	shalt  }
0x83: {  	_ =	shalt  }
0x84: {  	_ =	shalt  }
0x85: {  	_ =	shalt  }
0x86: {  	_ =	shalt  }
0x87: {  	_ =	shalt  }
.Lfunc_end0:
.L_simem_size_0:
called_computation_lowered:
.L_overlay_start_0:
0x88: {  	s2 =	sld [smem:$0x3FD9]  }
0x89: {  	s3 =	sld [smem:$0x3FFE];
	_ =	sdelay $0x1  }
0x8a: {  	s1 =	srdreg.scid  }
0x8b: {  	s0 =	sand.u32 $0x1, s1  }
0x8c: {  	s16 =	sshll.u32 s0, $0xA;
	s2 =	sadd.s32 s3, s2  }
0x8d: {  	s2 =	sadd.s32 s2, s16  }
0x8e: {  	[smem:$0x3FBF] =	sst s2  }
0x8f: {  	_ = 	snop  }
0x90: {  	(tm) =	ssettm $0x1  }
0x91: {  	s17 =	sld [smem:$0x3FFB];
	_ =	sdelay $0x3  }
0x92: {  	_ =	strace s17  }
0x93: {  	s2 =	sld [smem:$0x3FFC];
	_ =	sdelay $0x3  }
0x94: {  	_ =	strace s2  }
0x95: {  	s2 =	sld [smem:$0x3FFD];
	_ =	sdelay $0x3  }
0x96: {  	_ =	strace s2  }
0x97: {  	_ =	strace $0x8FFFFFFF  }
0x98: {  	s18 =	sld [smem:$0x3FDB];
	_ =	sdelay $0x1  }
0x99: {  	s19 =	simm.s32 $_scs_section_size  }
0x9a: {  	s4 =	simm.s32 $_size__tile_overlayer_lowered;
	s5 =	simm.s32 $_tile_overlayer_lowered  }
0x9b: {  	s22 =	simm.s32 $0x1BFF;
	s21 =	sshll.u32 s5, $0x1;
	s2 =	sadd.s32 s19, s18  }
0x9c: {  	s6 =	simm.s32 $0x0;
	s20 =	sshll.u32 s4, $0x1;
	s4 =	sadd.s32 s21, s2  }
0x9d: {  	[timem:s6], [sflag:s22] =	dma.local [hbm:s4], s20  }
0x9e: {  	_ =	swait.ge [sflag:s22], s20  }
0x9f: {  	s3 =	ssub.s32 $0x0, s20;
	[sflag:s22] =	ssyncset.done $0x0  }
0xa0: {  	[sflag:s22] =	ssyncadd.s32 s3;
	_ =	sdelay $0x1  }
0xa1: {  	s23 =	simm.s32 $0x1B8B  }
0xa2: {  	_ =	swait.ge [sflag:s23], $0x1  }
0xa3: {  	[sflag:s23] =	ssyncset.done $0x0  }
0xa4: {  	s25 =	simm.s32 $0x1B8E;
	s24 =	sld [smem:$0x3FFE];
	[sflag:s23] =	ssyncadd.s32 $0xFFFFFFFF  }
0xa5: {  	s26 =	simm.s32 $execute0_lowered;
	[smem:$0x3FD2] =	sst s25  }
0xa6: {  	s4 =	sshll.u32 s26, $0x1;
	_ =	strace $0x80000046;
	[dreg:$0x1] =	wrdreg $0xFFFFFFFF  }
0xa7: {  	s28 =	simm.s32 $_size_execute0_lowered;
	s2 =	sadd.s32 s2, s4;
	[dreg:$0x0] =	wrdreg $0x0  }
0xa8: {  	s4 =	sshll.u32 s28, $0x1;
	[dreg:$0x2] =	wrdreg s2  }
0xa9: {  	[dreg:$0x3] =	wrdreg s4  }
0xaa: {  	[dreg:$0x4] =	wrdreg $0xC0  }
0xab: {  	_ =	task [dreg:s6], $0x5FFFF  }
0xac: {  	[dreg:$0x1] =	wrdreg $0xFFFFFFFF  }
0xad: {  	[dreg:$0x0] =	wrdreg $0x60  }
0xae: {  	[dreg:$0x2] =	wrdreg s24  }
0xaf: {  	[dreg:$0x3] =	wrdreg $0x9  }
0xb0: {  	_ =	task.clear_ibuf [dreg:s6], $0x4FFFF;
	_ =	strace $0x90000046  }
0xb1: {  	s29 =	simm.s32 $0x9;
	_ =	strace $0x80000048  }
0xb2: {  	_ =	swait.ge [sflag:s29], $0x1  }
0xb3: {  	[sflag:s29] =	ssyncadd.s32 $0xFFFFFFFF  }
0xb4: {  	_ =	strace $0x90000048  }
0xb5: {  	_ =	sfence  }
0xb6: {  	s30 =	sld [smem:$0x0];
	_ =	sdelay $0x2  }
0xb7: {  	s31 =	sshll.u32 s1, $0xD;
	s1 =	sshrl.u32 s1, $0x2  }
0xb8: {  	s3 =	sand.u32 $0x4000, s31;
	s1 =	sadd.s32 s1, s30  }
0xb9: {  	s0 =	sor.u32 s3, s0;
	s1 =	sshll.u32 s1, $0x11  }
0xba: {  	s0 =	sor.u32 s1, s0  }
0xbb: {  	s0 =	sadd.s32 $0x8F2B, s0  }
0xbc: {  	[sflag:s0] =	ssyncadd.remote.s32 $0x1  }
0xbd: {  	_ =	sfence.sel $0xFFFF  }
0xbe: {  	[dreg:$0x0] =	wrdreg $0xFFFFFFFF;
	(pc) =	sbr.abs _section_cstart, $3  }
0xbf: {  	[dreg:$0x1] =	wrdreg $0xFFFFFFFF  }
0xc0: {  	_ =	task.clear_ibuf [dreg:s6], $0x2FFFF;
	_ =	strace $0x9FFFFFFF  }
0xc1: {  	(tm) =	ssettm $0x7FFFFFFF  }
tec
execute0_lowered:
.L_overlay_start_1:
0x0: {  	(tag) =	ssettag $0x1  }
0x1: {  	s0 =	rddreg [dreg:$0x0];
	s2 =	simm.s32 $0x0  }
0x2: {  	s1 =	srdreg.scid;
	s3 =	stileid.u32;
	s16 =	simm.s32 $0x1  }
0x3: {  	s17 =	simm.s32 $0x200;
	s18 =	simm.s32 $0xC00;
	s20 =	simm.s32 $0x4C00  }
0x4: {  	s21 =	simm.s32 $0x600;
	s22 =	simm.s32 $0x3;
	s23 =	simm.s32 $0x5  }
0x5: {  	s29 =	simm.s32 $0x6C00;
	s30 =	simm.s32 $0x4;
	s31 =	simm.s32 $0x6  }
0x6: {  	[smem:$0x7FF] =	sst s2;
	s1 =	sand.u32 $0x1, s1;
	s5 =	sshll.u32 s3, $0x1  }
0x7: {  	s3 =	sadd.s32 $0x1800, s0;
	s4 =	sadd.s32 $0xE800, s0;
	s7 =	sadd.s32 $0x51B800, s0  }
0x8: {  	s8 =	sadd.s32 $0x56AE00, s0;
	s6 =	sor.u32 s1, s5;
	s1 =	ssub.s32 $0x2, s1  }
0x9: {  	s9 =	sadd.s32 $0x63AE00, s0;
	s6 =	smul.u32 $0x3400, s6;
	s10 =	sshrl.u32 s1, $0x1  }
0xa: {  	_ =	strace $0x80000047;
	s5 =	sadd.s32 $0x1B800, s0;
	s25 =	ssub.s32 s1, s10  }
0xb: {  	s10 =	simm.s32 $0x0;
	s26 =	sshrl.u32 s6, $0x3;
	s0 =	smax.u32 s25, $0x1  }
0xc: {  	s12 =	sor.u32 $0x200, s6;
	s28 =	sadd.s32 s3, s26;
	[dreg:$0x4] =	wrdreg s0  }
0xd: {  	v0 =	vlaneseq.u32;
	s13 =	sadd.s32 $0x400, s6;
	s1 =	sadd.s32 s4, s26;
	[dreg:$0x2] =	wrdreg s28  }
0xe: {  	v0 =	vmul.u32 $0x10, v0;
	s25 =	simm.s32 $0x2;
	s26 =	simm.s32 $0x2C00;
	[dreg:$0x3] =	wrdreg s1  }
.LBB2_1:
0xf: {  	[dreg:$0x5] =	wrdreg s10  }
0x10: {  	s0 =	rddreg [dreg:$0x2]  }
0x11: {  	[tilespmem:s2], [sflag:$0x1] =	stream.linear.gather [hbm4b:s0+s2], $0x200, $0x38;
	[tilespmem:$0x9000] =	vst v63  }
0x12: {  	s28 =	rddreg [dreg:$0x3];
	s1 =	simm.s32 $0x400;
	s10 =	simm.s32 $0x0  }
0x13: {  	[tilespmem:s1], [sflag:$0x1] =	stream.linear.gather [hbm4b:s28+s2], $0x200, $0x38;
	[tilespmem:$0x9000] =	vst v63  }
.LBB2_2:
0x14: {  	_ =	swait.ge [sflag:s16], $0x200  }
0x15: {  	[sflag:s16] =	ssyncset.done $0x0  }
0x16: {  	[sflag:s16] =	ssyncadd.s32 $0xFFFFFE00  }
0x17: {  	_ =	swait.ge [sflag:s16], $0x200  }
0x18: {  	p0 =	seq.s32 s10, $0x0;
	[sflag:s16] =	ssyncset.done $0x0  }
0x19: {  	s0 =	simm.s32 @!p0 $0x7;
	[sflag:s16] =	ssyncadd.s32 $0xFFFFFE00  }
0x1a: {  	_ =	swait.ge @!p0 [sflag:s0], $0x2000  }
0x1b: {  	[sflag:s0] =	ssyncset.done @!p0 $0x0  }
0x1c: {  	[sflag:s0] =	ssyncadd.s32 @!p0 $0xFFFFE000;
	s0 =	simm.s32 @!p0 $0x9  }
0x1d: {  	_ =	swait.ge @!p0 [sflag:s0], $0x200  }
0x1e: {  	s28 =	simm.s32 $0x400;
	[sflag:s0] =	ssyncset.done @!p0 $0x0  }
0x1f: {  	s14 =	sshll.u32 s10, $0xA;
	[sflag:s0] =	ssyncadd.s32 @!p0 $0xFFFFFE00;
	s0 =	simm.s32 $0x0  }
0x20: {  	[tilespmem:s18], [sflag:$0x3] =	stream.indirect.gather [hbm4b:s5+s17], $0x10, s28, s17, $0xb8;
	[tilespmem:$0x9000] =	vst v63  }
0x21: {  	s1 =	simm.s32 $0x40;
	s19 =	sadd.s32 s6, s14;
	v1 =	vld [tilespmem:s0+$0x0]  }
.LBB2_3:
0x22: {  	p1 =	sne.s32 s1, $0x7C0  }
.Ltmp0:
0x23: {  	_ = 	snop;
	(pc) =	sbr.rel @p1 .LBB2_3-.Ltmp0, $3  }
0x24: {  	_ =	sdelay $0x1  }
0x25: {  	s11 =	sshra.s32 s1, $0x2;
	s1 =	sadd.s32 $0x40, s1;
	v2 =	vshrl.u32 v1, $0x4  }
0x26: {  	v1 =	vld [tilespmem:s11+$0x0];
	[tilespmem:s0+$0x800] =	vst v2;
	s0 =	smov.u32 s11  }
0x27: {  	_ =	sdelay $0x3  }
0x28: {  	s1 =	sadd.s32 s14, s12;
	v1 =	vshrl.u32 v1, $0x4  }
0x29: {  	s15 =	simm.s32 $0x800;
	s11 =	sshrl.u32 s1, $0x3;
	[tilespmem:s0+$0x800] =	vst v1  }
0x2a: {  	[tilespmem:s20], [sflag:$0x5] =	stream.indirect.gather [hbm4b:s7+s17], $0x10, s15, s17, $0xb8;
	[tilespmem:$0x9000] =	vst v63  }
0x2b: {  	s24 =	sadd.s32 s3, s11;
	s15 =	simm.s32 $0x0  }
0x2c: {  	[tilespmem:s17], [sflag:$0x2] =	stream.linear.gather [hbm4b:s24+s15], $0x200, $0x38;
	[tilespmem:$0x9000] =	vst v63  }
0x2d: {  	s24 =	sadd.s32 s4, s11  }
0x2e: {  	[tilespmem:s21], [sflag:$0x2] =	stream.linear.gather [hbm4b:s24+s15], $0x200, $0x38;
	[tilespmem:$0x9000] =	vst v63  }
0x2f: {  	_ =	swait.ge [sflag:s22], $0x2000  }
0x30: {  	s24 =	sshll.u32 s19, $0x1;
	[sflag:s22] =	ssyncset.done $0x0  }
0x31: {  	s0 =	sadd.s32 s8, s24;
	[sflag:s22] =	ssyncadd.s32 $0xFFFFE000  }
0x32: {  	[hbm4b:s0+s15] =	stream.linear.scatter [tilespmem:s18], [sflag:$0x7], $0x2000, $0x38;
	[tilespmem:$0x9000] =	vst v63  }
0x33: {  	_ =	swait.ge [sflag:s23], $0x2000  }
0x34: {  	[sflag:s23] =	ssyncset.done $0x0  }
0x35: {  	[sflag:s23] =	ssyncadd.s32 $0xFFFFE000  }
0x36: {  	v1 =	vld [tilespmem:s15+$0x0];
	_ =	sdelay $0x2  }
0x37: {  	v2 =	vmov s15  }
0x38: {  	v2 =	vshll.u32 v2, $0x4  }
0x39: {  	v2 =	vor.u32 v0, v2;
	v1 =	vand.u32 $0xF, v1  }
0x3a: {  	v1 =	vor.u32 v2, v1;
	_ =	sdelay $0x4  }
0x3b: {  	v1 =	vld.idx.msk [tilespmem:v1+s20+$0x0], $0xffff;
	_ =	sdelay $0x3  }
0x3c: {  	s24 =	simm.s32 $0x8C00  }
0x3d: {  	s15 =	simm.s32 $0x10;
	[tilespmem:s24+$0x0] =	vst v1  }
0x3e: {  	s28 =	simm.s32 $0x20;
	s0 =	simm.s32 $0x10;
	v1 =	vld [tilespmem:s15+$0x0]  }
.LBB2_5:
0x3f: {  	p1 =	sne.s32 s28, $0x1F0;
	_ =	sdelay $0x1  }
0x40: {  	v2 =	vmov s15;
	s15 =	smov.u32 s28  }
0x41: {  	v2 =	vshll.u32 v2, $0x4  }
0x42: {  	v2 =	vor.u32 v0, v2;
	v1 =	vand.u32 $0xF, v1  }
0x43: {  	v1 =	vor.u32 v2, v1;
	_ =	sdelay $0x4  }
0x44: {  	v1 =	vld.idx.msk [tilespmem:v1+s20+$0x0], $0xffff;
	_ =	sdelay $0x2  }
.Ltmp1:
0x45: {  	(pc) =	sbr.rel @p1 .LBB2_5-.Ltmp1, $4  }
0x46: {  	_ = 	snop  }
0x47: {  	s24 =	sadd.s32 $0x10, s24  }
0x48: {  	s0 =	sadd.s32 $0x10, s0;
	[tilespmem:s24+$0x0] =	vst v1  }
0x49: {  	s28 =	sadd.s32 $0x10, s28;
	v1 =	vld [tilespmem:s0+$0x0]  }
0x4a: {  	_ =	sdelay $0x1  }
0x4b: {  	v2 =	vmov s15  }
0x4c: {  	v2 =	vshll.u32 v2, $0x4  }
0x4d: {  	v2 =	vor.u32 v0, v2;
	v1 =	vand.u32 $0xF, v1  }
0x4e: {  	v1 =	vor.u32 v2, v1;
	_ =	sdelay $0x4  }
0x4f: {  	v1 =	vld.idx.msk [tilespmem:v1+s20+$0x0], $0xffff;
	_ =	sdelay $0x3  }
0x50: {  	s0 =	sadd.s32 $0x10, s24;
	s19 =	sshrl.u32 s19, $0x3  }
0x51: {  	s28 =	simm.s32 $0x8C00;
	s24 =	sadd.s32 s9, s19;
	[tilespmem:s0+$0x0] =	vst v1  }
0x52: {  	[hbm4b:s24+s2] =	stream.linear.scatter [tilespmem:s28], [sflag:$0x9], $0x200, $0x38;
	[tilespmem:$0x9000] =	vst v63  }
0x53: {  	_ =	swait.ge [sflag:s25], $0x200  }
0x54: {  	[sflag:s25] =	ssyncset.done $0x0  }
0x55: {  	[sflag:s25] =	ssyncadd.s32 $0xFFFFFE00  }
0x56: {  	_ =	swait.ge [sflag:s25], $0x200  }
0x57: {  	[sflag:s25] =	ssyncset.done $0x0  }
0x58: {  	s0 =	simm.s32 @!p0 $0x8;
	[sflag:s25] =	ssyncadd.s32 $0xFFFFFE00  }
0x59: {  	_ =	swait.ge @!p0 [sflag:s0], $0x2000  }
0x5a: {  	[sflag:s0] =	ssyncset.done @!p0 $0x0  }
0x5b: {  	[sflag:s0] =	ssyncadd.s32 @!p0 $0xFFFFE000;
	s0 =	simm.s32 @!p0 $0xA  }
0x5c: {  	_ =	swait.ge @!p0 [sflag:s0], $0x200  }
0x5d: {  	[sflag:s0] =	ssyncset.done @!p0 $0x0  }
0x5e: {  	[sflag:s0] =	ssyncadd.s32 @!p0 $0xFFFFFE00;
	s0 =	simm.s32 $0x0  }
0x5f: {  	[tilespmem:s26], [sflag:$0x4] =	stream.indirect.gather [hbm4b:s5+s17], $0x10, s21, s17, $0xb8;
	[tilespmem:$0x9000] =	vst v63  }
0x60: {  	s15 =	simm.s32 $0x40;
	v1 =	vld [tilespmem:s0+$0x200]  }
.LBB2_7:
0x61: {  	p0 =	sne.s32 s15, $0x7C0  }
.Ltmp2:
0x62: {  	_ = 	snop;
	(pc) =	sbr.rel @p0 .LBB2_7-.Ltmp2, $3  }
0x63: {  	_ =	sdelay $0x1  }
0x64: {  	s19 =	sshra.s32 s15, $0x2;
	s15 =	sadd.s32 $0x40, s15;
	v2 =	vshrl.u32 v1, $0x4  }
0x65: {  	v1 =	vld [tilespmem:s19+$0x200];
	[tilespmem:s0+$0xA00] =	vst v2;
	s0 =	smov.u32 s19  }
0x66: {  	_ =	sdelay $0x3  }
0x67: {  	p0 =	seq.s32 s10, $0xC;
	v1 =	vshrl.u32 v1, $0x4  }
0x68: {  	s15 =	simm.s32 $0xA00;
	[tilespmem:s0+$0xA00] =	vst v1;
	s0 =	sadd.s32 @!p0 s14, s13  }
0x69: {  	[tilespmem:s29], [sflag:$0x6] =	stream.indirect.gather [hbm4b:s7+s17], $0x10, s15, s17, $0xb8;
	[tilespmem:$0x9000] =	vst v63  }
0x6a: {  	s0 =	sshrl.u32 @!p0 s0, $0x3  }
0x6b: {  	s15 =	simm.s32 @!p0 $0x0;
	s14 =	sadd.s32 @!p0 s3, s0  }
0x6c: {  	[tilespmem:s15], [sflag:$0x1] =	stream.linear.gather @!p0 [hbm4b:s14+s15], $0x200, $0x38;
	[tilespmem:$0x9000] =	vst v63  }
0x6d: {  	s0 =	sadd.s32 @!p0 s4, s0;
	s14 =	simm.s32 @!p0 $0x400  }
0x6e: {  	[tilespmem:s14], [sflag:$0x1] =	stream.linear.gather @!p0 [hbm4b:s0+s15], $0x200, $0x38;
	[tilespmem:$0x9000] =	vst v63  }
0x6f: {  	s19 =	sshll.u32 s1, $0x1;
	_ =	swait.ge [sflag:s30], $0x2000  }
0x70: {  	s0 =	sand.u32 $0x1FFFFC00, s19;
	[sflag:s30] =	ssyncset.done $0x0  }
0x71: {  	s24 =	simm.s32 $0x0;
	s0 =	sadd.s32 s8, s0;
	[sflag:s30] =	ssyncadd.s32 $0xFFFFE000  }
0x72: {  	[hbm4b:s0+s24] =	stream.linear.scatter [tilespmem:s26], [sflag:$0x8], $0x2000, $0x38;
	[tilespmem:$0x9000] =	vst v63  }
0x73: {  	_ =	swait.ge [sflag:s31], $0x2000  }
0x74: {  	[sflag:s31] =	ssyncset.done $0x0  }
0x75: {  	s28 =	simm.s32 $0x200;
	[sflag:s31] =	ssyncadd.s32 $0xFFFFE000  }
0x76: {  	v1 =	vld [tilespmem:s28+$0x0];
	_ =	sdelay $0x2  }
0x77: {  	v2 =	vmov s24  }
0x78: {  	v2 =	vshll.u32 v2, $0x4  }
0x79: {  	v2 =	vor.u32 v0, v2;
	v1 =	vand.u32 $0xF, v1  }
0x7a: {  	v1 =	vor.u32 v2, v1;
	_ =	sdelay $0x4  }
0x7b: {  	v1 =	vld.idx.msk [tilespmem:v1+s29+$0x0], $0xffff;
	_ =	sdelay $0x3  }
0x7c: {  	s1 =	simm.s32 $0x8E00  }
0x7d: {  	s14 =	simm.s32 $0x210;
	[tilespmem:s1+$0x0] =	vst v1  }
0x7e: {  	s15 =	simm.s32 $0x10;
	s0 =	simm.s32 $0x20;
	v1 =	vld [tilespmem:s14+$0x0]  }
.LBB2_9:
0x7f: {  	p0 =	sne.s32 s0, $0x1F0;
	_ =	sdelay $0x1  }
0x80: {  	v2 =	vmov s15;
	s15 =	smov.u32 s0  }
0x81: {  	v2 =	vshll.u32 v2, $0x4  }
0x82: {  	v2 =	vor.u32 v0, v2;
	v1 =	vand.u32 $0xF, v1  }
0x83: {  	v1 =	vor.u32 v2, v1;
	_ =	sdelay $0x4  }
0x84: {  	v1 =	vld.idx.msk [tilespmem:v1+s29+$0x0], $0xffff;
	_ =	sdelay $0x2  }
.Ltmp3:
0x85: {  	(pc) =	sbr.rel @p0 .LBB2_9-.Ltmp3, $4  }
0x86: {  	_ = 	snop  }
0x87: {  	s1 =	sadd.s32 $0x10, s1  }
0x88: {  	s14 =	sadd.s32 $0x10, s14;
	[tilespmem:s1+$0x0] =	vst v1  }
0x89: {  	s0 =	sadd.s32 $0x10, s0;
	v1 =	vld [tilespmem:s14+$0x0]  }
0x8a: {  	_ =	sdelay $0x1  }
0x8b: {  	v2 =	vmov s15  }
0x8c: {  	v2 =	vshll.u32 v2, $0x4  }
0x8d: {  	v2 =	vor.u32 v0, v2;
	v1 =	vand.u32 $0xF, v1  }
0x8e: {  	v1 =	vor.u32 v2, v1;
	_ =	sdelay $0x4  }
0x8f: {  	s10 =	sadd.s32 $0x1, s10;
	v1 =	vld.idx.msk [tilespmem:v1+s29+$0x0], $0xffff  }
0x90: {  	p0 =	sne.s32 s10, $0xD  }
.Ltmp4:
0x91: {  	_ = 	snop;
	(pc) =	sbr.rel @p0 .LBB2_2-.Ltmp4, $4  }
0x92: {  	_ = 	snop  }
0x93: {  	s0 =	sadd.s32 $0x10, s1  }
0x94: {  	s24 =	sadd.s32 s9, s11;
	s28 =	simm.s32 $0x8E00;
	[tilespmem:s0+$0x0] =	vst v1  }
0x95: {  	[hbm4b:s24+s2] =	stream.linear.scatter [tilespmem:s28], [sflag:$0xA], $0x200, $0x38;
	[tilespmem:$0x9000] =	vst v63  }
0x96: {  	s0 =	simm.s32 $0x7  }
0x97: {  	_ =	swait.ge [sflag:s0], $0x2000  }
0x98: {  	[sflag:s0] =	ssyncset.done $0x0  }
0x99: {  	s19 =	simm.s32 $0x9;
	[sflag:s0] =	ssyncadd.s32 $0xFFFFE000  }
0x9a: {  	_ =	swait.ge [sflag:s19], $0x200  }
0x9b: {  	[sflag:s19] =	ssyncset.done $0x0  }
0x9c: {  	s24 =	simm.s32 $0x8;
	[sflag:s19] =	ssyncadd.s32 $0xFFFFFE00  }
0x9d: {  	_ =	swait.ge [sflag:s24], $0x2000  }
0x9e: {  	[sflag:s24] =	ssyncset.done $0x0  }
0x9f: {  	s1 =	simm.s32 $0xA;
	[sflag:s24] =	ssyncadd.s32 $0xFFFFE000  }
0xa0: {  	_ =	swait.ge [sflag:s1], $0x200  }
0xa1: {  	s10 =	rddreg [dreg:$0x5]  }
0xa2: {  	s28 =	rddreg [dreg:$0x4];
	s10 =	sadd.s32 $0x1, s10  }
0xa3: {  	p0 =	sne.s32 s10, s28  }
.Ltmp5:
0xa4: {  	_ = 	snop;
	(pc) =	sbr.rel @p0 .LBB2_1-.Ltmp5, $3  }
0xa5: {  	_ =	sdelay $0x1  }
0xa6: {  	[sflag:s1] =	ssyncset.done $0x0  }
0xa7: {  	[sflag:s1] =	ssyncadd.s32 $0xFFFFFE00  }
0xa8: {  	_ =	sfence.sel $0x180000  }
0xa9: {  	[bflag:$0x0] =	sbarrier.arrive $0xFFFF  }
0xaa: {  	_ =	strace $0x90000047  }
0xab: {  	s0 =	stileid.u32;
	[bflag:$0x2] =	sbarrier.arrive $0xFFFF  }
0xac: {  	p0 =	sne.s32 s0, $0x0;
	s0 =	rddreg [dreg:$0x1]  }
0xad: {  	s0 =	sadd.s32 @!p0 $0x100000, s0  }
0xae: {  	[sflag:s0] =	ssyncadd.tile.s32 @!p0 $0x1;
	_ =	shalt  }
.Lfunc_end2:
_tile_overlayer_lowered:
.L_overlay_start_2:
0xaf: {  	(tag) =	ssettag $0x2  }
0xb0: {  	s0 =	rddreg [dreg:$0x0];
	s2 =	stileid.u32  }
0xb1: {  	s1 =	rddreg [dreg:$0x1];
	p0 =	sne.s32 s2, $0x0  }
0xb2: {  	s3 =	rddreg [dreg:$0x2];
	[bflag:$0x3] =	sbarrier.arrive $0xFFFF;
	s2 =	simm.s32 @!p0 $0x1C0B  }
0xb3: {  	[timem:s3], [sflag:s2] =	dma.local @!p0 [hbm:s0], s1  }
0xb4: {  	s0 =	simm.s32 @!p0 $0xB  }
0xb5: {  	_ =	swait.ge @!p0 [sflag:s0], s1  }
0xb6: {  	s1 =	ssub.s32 @!p0 $0x0, s1;
	[sflag:s0] =	ssyncset.done @!p0 $0x0  }
0xb7: {  	[sflag:s0] =	ssyncadd.s32 @!p0 s1  }
0xb8: {  	[bflag:$0x3] =	sbarrier.arrive $0xFFFF  }
0xb9: {  	_ =	shalt  }

</sc_bundles>
